<compile_context>
chip_gen: v7x
topology: tpu7x:2x2x1
jax: 0.10.2.dev20260603
libtpu: 0.0.44.dev20260713+nightly
codegen_flags: <defaults>
</compile_context>

<pallas_src>
import functools

import jax
import jax.numpy as jnp
from jax import lax
from jax.experimental import pallas as pl
from jax.experimental.pallas import tpu as pltpu
from jax.experimental.pallas import tpu_sc as plsc

S = 34
H = 2048
W = 1024
N = H * W
NW = 32
PER_W = N // NW
C = 1024
NCHUNK = PER_W // C
L = 16


def _sc_body(x_hbm, xt_hbm, xn_hbm, xmin_hbm, xmax_hbm, xto_hbm,
             xa, xta, xmin_v, xmax_v, xto_v):
    cid = lax.axis_index("c")
    sid = lax.axis_index("s")
    wid = sid * 2 + cid
    base0 = wid * PER_W

    def chunk_body(ci, _):
        base = base0 + ci * C
        pltpu.sync_copy(x_hbm.at[:, pl.ds(base, C)], xa)
        pltpu.sync_copy(xt_hbm.at[pl.ds(base, C)], xta)

        def vec_body(v, _):
            sl = pl.ds(v * L, L)
            def acc_body(s, acc):
                return acc + jnp.abs(xa[s, sl])
            asum = lax.fori_loop(1, S, acc_body, jnp.zeros((L,), jnp.float32),
                                 unroll=True)
            x0 = xa[0, sl]
            xmin = x0 - asum
            xmax = x0 + asum
            sgn = jnp.sign(xmin) + jnp.sign(xmax)
            mask_p = sgn == 0.0
            mask_0 = sgn < 0.0
            denom = jnp.abs(xmax) + jnp.abs(xmin)
            coef = jnp.where(denom > 0.0, xmax / jnp.where(denom > 0.0, denom, 1.0), 0.0)
            bias = xmax * (1.0 - coef) * 0.5
            noise = jnp.abs(bias)
            out0 = jnp.where(mask_p, coef * x0 + bias,
                             jnp.where(mask_0, 0.0, x0))
            xa[0, sl] = out0

            def mid_body(s, ns_acc):
                xm = xa[s, sl]
                om = jnp.where(mask_p, coef * xm, jnp.where(mask_0, 0.0, xm))
                xa[s, sl] = om
                return ns_acc + jnp.abs(om)
            nsum = lax.fori_loop(1, S - 1, mid_body,
                                 jnp.zeros((L,), jnp.float32), unroll=True)

            xl = xa[S - 1, sl]
            ol = jnp.where(mask_p, noise + jnp.abs(coef) * xl,
                           jnp.where(mask_0, 0.0, xl))
            xa[S - 1, sl] = ol
            nsum = nsum + jnp.abs(ol)
            xmin_v[sl] = out0 - nsum
            xmax_v[sl] = out0 + nsum
            xto_v[sl] = jnp.maximum(xta[sl], 0.0)
            return 0

        lax.fori_loop(0, C // L, vec_body, 0)

        pltpu.sync_copy(xa, xn_hbm.at[:, pl.ds(base, C)])
        pltpu.sync_copy(xmin_v, xmin_hbm.at[pl.ds(base, C)])
        pltpu.sync_copy(xmax_v, xmax_hbm.at[pl.ds(base, C)])
        pltpu.sync_copy(xto_v, xto_hbm.at[pl.ds(base, C)])
        return 0

    lax.fori_loop(0, NCHUNK, chunk_body, 0)


@jax.jit
def _run(x2, xt):
    mesh = plsc.VectorSubcoreMesh(core_axis_name="c", subcore_axis_name="s")
    f = pl.kernel(
        _sc_body,
        out_type=(
            jax.ShapeDtypeStruct((S, N), jnp.float32),
            jax.ShapeDtypeStruct((N,), jnp.float32),
            jax.ShapeDtypeStruct((N,), jnp.float32),
            jax.ShapeDtypeStruct((N,), jnp.float32),
        ),
        mesh=mesh,
        scratch_types=[
            pltpu.VMEM((S, C), jnp.float32),
            pltpu.VMEM((C,), jnp.float32),
            pltpu.VMEM((C,), jnp.float32),
            pltpu.VMEM((C,), jnp.float32),
            pltpu.VMEM((C,), jnp.float32),
        ],
    )
    return f(x2, xt)


def kernel(x, x_min, x_max, x_true):
    del x_min, x_max
    x2 = x.reshape(S, N)
    xt = x_true.reshape(N)
    xn, xmin2, xmax2, xto = _run(x2, xt)
    return (xn.reshape(S, H, W), xmin2.reshape(H, W), xmax2.reshape(H, W),
            xto.reshape(H, W))

# --- scband reference (transcript-rebuilt; emitter-appended) ---
"""Pipeline reference for scband-abstract-re-lu-37529424233162 (READ-ONLY COPY).

The authoritative reference and input builder live on the scoring server;
editing this copy changes nothing except your own understanding.
"""

import jax, jax.numpy as jnp
import numpy as np

S = 34
H = 2048
W = 1024

def setup_inputs(seed: int = 0) -> dict:
    key = jax.random.key(seed)
    k1, k2 = jax.random.split(key)
    x = jax.random.normal(k1, (S, H, W), dtype=jnp.float32)
    x_min = jnp.zeros((H, W), dtype=jnp.float32)
    x_max = jnp.zeros((H, W), dtype=jnp.float32)
    x_true = jax.random.normal(k2, (H, W), dtype=jnp.float32)
    return {"x": x, "x_min": x_min, "x_max": x_max, "x_true": x_true}

def _abstract_relu(x, x_true):
    # x: [S, H, W] zonotope; x[0]=center, x[1:-1]=symbols, x[-1]=accumulated noise
    x_min = x[0] - jnp.sum(jnp.abs(x[1:]), axis=0)
    x_max = x[0] + jnp.sum(jnp.abs(x[1:]), axis=0)
    sgn = jnp.sign(x_min) + jnp.sign(x_max)
    coef = x_max / (jnp.abs(x_max) + jnp.abs(x_min))
    coef = jnp.where(jnp.isnan(coef), jnp.zeros_like(coef), coef)
    bias = x_max * (1.0 - coef) / 2.0
    noise = jnp.abs(bias)
    x_true = jax.nn.relu(x_true)
    mask_p = sgn == 0
    mask_0 = (sgn == -2) | (sgn == -1)
    # center row
    x0 = jnp.where(mask_p, coef * x[0] + bias, jnp.where(mask_0, 0.0, x[0]))
    # middle symbol rows
    xm = jnp.where(mask_p[None], coef[None] * x[1:-1], jnp.where(mask_0[None], 0.0, x[1:-1]))
    # noise row
    xl = jnp.where(mask_p, noise + jnp.abs(coef) * x[-1], jnp.where(mask_0, 0.0, x[-1]))
    xn = jnp.concatenate([x0[None], xm, xl[None]], axis=0)
    x_min2 = xn[0] - jnp.sum(jnp.abs(xn[1:]), axis=0)
    x_max2 = xn[0] + jnp.sum(jnp.abs(xn[1:]), axis=0)
    return xn, x_min2, x_max2, x_true

def reference(x, x_min, x_max, x_true):
    # x_min / x_max inputs are immediately recomputed inside the original torch code,
    # so they are placeholders (accepted for signature fidelity).
    return _abstract_relu(x, x_true)

if __name__ == "__main__":
    import jax
    _d = setup_inputs()
    print(jax.jit(kernel)(*tuple(_d.values())))

</pallas_src>

<mosaic_0001>
#map = affine_map<(d0, d1) -> (0, 0)>
#map1 = affine_map<(d0, d1) -> (0)>
module attributes {stable_mosaic.version = 14 : i64} {
  func.func @_sc_body(%arg0: i32, %arg1: i32, %arg2: memref<34x2097152xf32, #tpu.memory_space<hbm>>, %arg3: memref<2097152xf32, #tpu.memory_space<hbm>>, %arg4: memref<34x2097152xf32, #tpu.memory_space<hbm>>, %arg5: memref<2097152xf32, #tpu.memory_space<hbm>>, %arg6: memref<2097152xf32, #tpu.memory_space<hbm>>, %arg7: memref<2097152xf32, #tpu.memory_space<hbm>>, %arg8: memref<34x1024xf32, #tpu.memory_space<vmem>>, %arg9: memref<1024xf32, #tpu.memory_space<vmem>>, %arg10: memref<1024xf32, #tpu.memory_space<vmem>>, %arg11: memref<1024xf32, #tpu.memory_space<vmem>>, %arg12: memref<1024xf32, #tpu.memory_space<vmem>>) attributes {dimension_semantics = [#tpu.dimension_semantics<core_parallel>, #tpu.dimension_semantics<subcore_parallel>], iteration_bounds = array<i64: 2, 16>, scalar_prefetch = 0 : i64, scratch_operands = 5 : i64, tpu.core_type = #tpu.core_type<sc_vector_subcore>, window_params = [{transform_indices = #map}, {transform_indices = #map1}, {transform_indices = #map}, {transform_indices = #map1}, {transform_indices = #map1}, {transform_indices = #map1}]} {
    %mul3A = arith.constant 2 : i32
    %mul3A_0 = arith.muli %arg1, %mul3A : i32
    %add3A = arith.addi %mul3A_0, %arg0 : i32
    %mul3A_1 = arith.constant 65536 : i32
    %mul3A_2 = arith.muli %add3A, %mul3A_1 : i32
    %scan3A = arith.constant 0 : i32
    %scan3A_3 = arith.constant 0 : i32
    %scan3A_4 = arith.constant 64 : i32
    %scan3A_5 = arith.addi %scan3A_3, %scan3A_4 : i32
    %scan3A_6 = arith.constant 1 : i32
    %scan3A_7 = scf.for %scan3A_9 = %scan3A_3 to %scan3A_5 step %scan3A_6 iter_args(%scan3A_10 = %scan3A) -> (i32)  : i32 {
      %mul3A_11 = arith.constant 1024 : i32
      %mul3A_12 = arith.muli %scan3A_9, %mul3A_11 : i32
      %add3A_13 = arith.addi %mul3A_2, %mul3A_12 : i32
      "tpu.region"() ({
        %run_scoped3A = tpu.sem_alloc : memref<!tpu.dma_semaphore, #tpu.memory_space<semaphore_mem>>
        %dma_start3A = arith.constant 0 : i32
        %dma_start3A_22 = tpu.memref_slice %arg2[%dma_start3A, %add3A_13] : memref<34x2097152xf32, #tpu.memory_space<hbm>> -> memref<34x1024xf32, #tpu.memory_space<hbm>>
        %dma_start3A_23 = arith.constant 0 : i32
        %dma_start3A_24 = tpu.memref_slice %arg2[%dma_start3A_23, %add3A_13] : memref<34x2097152xf32, #tpu.memory_space<hbm>> -> memref<34x1024xf32, #tpu.memory_space<hbm>>
        tpu.enqueue_dma source(%dma_start3A_24 : memref<34x1024xf32, #tpu.memory_space<hbm>>) target(%arg8 : memref<34x1024xf32, #tpu.memory_space<vmem>>) target_semaphore(%run_scoped3A : memref<!tpu.dma_semaphore, #tpu.memory_space<semaphore_mem>>)
        %dma_wait3A = arith.constant 0 : i32
        %dma_wait3A_25 = tpu.memref_slice %arg2[%dma_wait3A, %add3A_13] : memref<34x2097152xf32, #tpu.memory_space<hbm>> -> memref<34x1024xf32, #tpu.memory_space<hbm>>
        %dma_wait3A_26 = arith.constant 0 : i32
        %dma_wait3A_27 = tpu.memref_slice %arg2[%dma_wait3A_26, %add3A_13] : memref<34x2097152xf32, #tpu.memory_space<hbm>> -> memref<34x1024xf32, #tpu.memory_space<hbm>>
        tpu.wait_dma2 semaphore(%run_scoped3A : memref<!tpu.dma_semaphore, #tpu.memory_space<semaphore_mem>>) src(%dma_wait3A_27 : memref<34x1024xf32, #tpu.memory_space<hbm>>) dst(%arg8 : memref<34x1024xf32, #tpu.memory_space<vmem>>)
        tpu.yield
      }) : () -> ()
      "tpu.region"() ({
        %run_scoped3A = tpu.sem_alloc : memref<!tpu.dma_semaphore, #tpu.memory_space<semaphore_mem>>
        %dma_start3A = tpu.memref_slice %arg3[%add3A_13] : memref<2097152xf32, #tpu.memory_space<hbm>> -> memref<1024xf32, #tpu.memory_space<hbm>>
        %dma_start3A_22 = tpu.memref_slice %arg3[%add3A_13] : memref<2097152xf32, #tpu.memory_space<hbm>> -> memref<1024xf32, #tpu.memory_space<hbm>>
        tpu.enqueue_dma source(%dma_start3A_22 : memref<1024xf32, #tpu.memory_space<hbm>>) target(%arg9 : memref<1024xf32, #tpu.memory_space<vmem>>) target_semaphore(%run_scoped3A : memref<!tpu.dma_semaphore, #tpu.memory_space<semaphore_mem>>)
        %dma_wait3A = tpu.memref_slice %arg3[%add3A_13] : memref<2097152xf32, #tpu.memory_space<hbm>> -> memref<1024xf32, #tpu.memory_space<hbm>>
        %dma_wait3A_23 = tpu.memref_slice %arg3[%add3A_13] : memref<2097152xf32, #tpu.memory_space<hbm>> -> memref<1024xf32, #tpu.memory_space<hbm>>
        tpu.wait_dma2 semaphore(%run_scoped3A : memref<!tpu.dma_semaphore, #tpu.memory_space<semaphore_mem>>) src(%dma_wait3A_23 : memref<1024xf32, #tpu.memory_space<hbm>>) dst(%arg9 : memref<1024xf32, #tpu.memory_space<vmem>>)
        tpu.yield
      }) : () -> ()
      %scan3A_14 = arith.constant 0 : i32
      %scan3A_15 = arith.constant 0 : i32
      %scan3A_16 = arith.constant 64 : i32
      %scan3A_17 = arith.addi %scan3A_15, %scan3A_16 : i32
      %scan3A_18 = arith.constant 1 : i32
      %scan3A_19 = scf.for %scan3A_22 = %scan3A_15 to %scan3A_17 step %scan3A_18 iter_args(%scan3A_23 = %scan3A_14) -> (i32)  : i32 {
        %mul3A_24 = arith.constant 16 : i32
        %mul3A_25 = arith.muli %scan3A_22, %mul3A_24 : i32
        %broadcast_in_dim3A = arith.constant 0.000000e+00 : f32
        %broadcast_in_dim3A_26 = vector.broadcast %broadcast_in_dim3A : f32 to vector<16xf32>
        %scan3A_27 = arith.constant 1 : i32
        %get3A = arith.index_cast %scan3A_27 : i32 to index
        %get3A_28 = arith.index_cast %mul3A_25 : i32 to index
        %get3A_29 = tpu.vector_load %arg8[%get3A, %get3A_28] {strides = array<i32>} : memref<34x1024xf32, #tpu.memory_space<vmem>>, vector<1x16xf32>,
        %get3A_30 = vector.shape_cast %get3A_29 : vector<1x16xf32> to vector<16xf32>
        %abs3A = math.absf %get3A_30 : vector<16xf32>
        %add3A_31 = arith.addf %broadcast_in_dim3A_26, %abs3A : vector<16xf32>
        %scan3A_32 = arith.constant 2 : i32
        %get3A_33 = arith.index_cast %scan3A_32 : i32 to index
        %get3A_34 = arith.index_cast %mul3A_25 : i32 to index
        %get3A_35 = tpu.vector_load %arg8[%get3A_33, %get3A_34] {strides = array<i32>} : memref<34x1024xf32, #tpu.memory_space<vmem>>, vector<1x16xf32>,
        %get3A_36 = vector.shape_cast %get3A_35 : vector<1x16xf32> to vector<16xf32>
        %abs3A_37 = math.absf %get3A_36 : vector<16xf32>
        %add3A_38 = arith.addf %add3A_31, %abs3A_37 : vector<16xf32>
        %scan3A_39 = arith.constant 3 : i32
        %get3A_40 = arith.index_cast %scan3A_39 : i32 to index
        %get3A_41 = arith.index_cast %mul3A_25 : i32 to index
        %get3A_42 = tpu.vector_load %arg8[%get3A_40, %get3A_41] {strides = array<i32>} : memref<34x1024xf32, #tpu.memory_space<vmem>>, vector<1x16xf32>,
        %get3A_43 = vector.shape_cast %get3A_42 : vector<1x16xf32> to vector<16xf32>
        %abs3A_44 = math.absf %get3A_43 : vector<16xf32>
        %add3A_45 = arith.addf %add3A_38, %abs3A_44 : vector<16xf32>
        %scan3A_46 = arith.constant 4 : i32
        %get3A_47 = arith.index_cast %scan3A_46 : i32 to index
        %get3A_48 = arith.index_cast %mul3A_25 : i32 to index
        %get3A_49 = tpu.vector_load %arg8[%get3A_47, %get3A_48] {strides = array<i32>} : memref<34x1024xf32, #tpu.memory_space<vmem>>, vector<1x16xf32>,
        %get3A_50 = vector.shape_cast %get3A_49 : vector<1x16xf32> to vector<16xf32>
        %abs3A_51 = math.absf %get3A_50 : vector<16xf32>
        %add3A_52 = arith.addf %add3A_45, %abs3A_51 : vector<16xf32>
        %scan3A_53 = arith.constant 5 : i32
        %get3A_54 = arith.index_cast %scan3A_53 : i32 to index
        %get3A_55 = arith.index_cast %mul3A_25 : i32 to index
        %get3A_56 = tpu.vector_load %arg8[%get3A_54, %get3A_55] {strides = array<i32>} : memref<34x1024xf32, #tpu.memory_space<vmem>>, vector<1x16xf32>,
        %get3A_57 = vector.shape_cast %get3A_56 : vector<1x16xf32> to vector<16xf32>
        %abs3A_58 = math.absf %get3A_57 : vector<16xf32>
        %add3A_59 = arith.addf %add3A_52, %abs3A_58 : vector<16xf32>
        %scan3A_60 = arith.constant 6 : i32
        %get3A_61 = arith.index_cast %scan3A_60 : i32 to index
        %get3A_62 = arith.index_cast %mul3A_25 : i32 to index
        %get3A_63 = tpu.vector_load %arg8[%get3A_61, %get3A_62] {strides = array<i32>} : memref<34x1024xf32, #tpu.memory_space<vmem>>, vector<1x16xf32>,
        %get3A_64 = vector.shape_cast %get3A_63 : vector<1x16xf32> to vector<16xf32>
        %abs3A_65 = math.absf %get3A_64 : vector<16xf32>
        %add3A_66 = arith.addf %add3A_59, %abs3A_65 : vector<16xf32>
        %scan3A_67 = arith.constant 7 : i32
        %get3A_68 = arith.index_cast %scan3A_67 : i32 to index
        %get3A_69 = arith.index_cast %mul3A_25 : i32 to index
        %get3A_70 = tpu.vector_load %arg8[%get3A_68, %get3A_69] {strides = array<i32>} : memref<34x1024xf32, #tpu.memory_space<vmem>>, vector<1x16xf32>,
        %get3A_71 = vector.shape_cast %get3A_70 : vector<1x16xf32> to vector<16xf32>
        %abs3A_72 = math.absf %get3A_71 : vector<16xf32>
        %add3A_73 = arith.addf %add3A_66, %abs3A_72 : vector<16xf32>
        %scan3A_74 = arith.constant 8 : i32
        %get3A_75 = arith.index_cast %scan3A_74 : i32 to index
        %get3A_76 = arith.index_cast %mul3A_25 : i32 to index
        %get3A_77 = tpu.vector_load %arg8[%get3A_75, %get3A_76] {strides = array<i32>} : memref<34x1024xf32, #tpu.memory_space<vmem>>, vector<1x16xf32>,
        %get3A_78 = vector.shape_cast %get3A_77 : vector<1x16xf32> to vector<16xf32>
        %abs3A_79 = math.absf %get3A_78 : vector<16xf32>
        %add3A_80 = arith.addf %add3A_73, %abs3A_79 : vector<16xf32>
        %scan3A_81 = arith.constant 9 : i32
        %get3A_82 = arith.index_cast %scan3A_81 : i32 to index
        %get3A_83 = arith.index_cast %mul3A_25 : i32 to index
        %get3A_84 = tpu.vector_load %arg8[%get3A_82, %get3A_83] {strides = array<i32>} : memref<34x1024xf32, #tpu.memory_space<vmem>>, vector<1x16xf32>,
        %get3A_85 = vector.shape_cast %get3A_84 : vector<1x16xf32> to vector<16xf32>
        %abs3A_86 = math.absf %get3A_85 : vector<16xf32>
        %add3A_87 = arith.addf %add3A_80, %abs3A_86 : vector<16xf32>
        %scan3A_88 = arith.constant 10 : i32
        %get3A_89 = arith.index_cast %scan3A_88 : i32 to index
        %get3A_90 = arith.index_cast %mul3A_25 : i32 to index
        %get3A_91 = tpu.vector_load %arg8[%get3A_89, %get3A_90] {strides = array<i32>} : memref<34x1024xf32, #tpu.memory_space<vmem>>, vector<1x16xf32>,
        %get3A_92 = vector.shape_cast %get3A_91 : vector<1x16xf32> to vector<16xf32>
        %abs3A_93 = math.absf %get3A_92 : vector<16xf32>
        %add3A_94 = arith.addf %add3A_87, %abs3A_93 : vector<16xf32>
        %scan3A_95 = arith.constant 11 : i32
        %get3A_96 = arith.index_cast %scan3A_95 : i32 to index
        %get3A_97 = arith.index_cast %mul3A_25 : i32 to index
        %get3A_98 = tpu.vector_load %arg8[%get3A_96, %get3A_97] {strides = array<i32>} : memref<34x1024xf32, #tpu.memory_space<vmem>>, vector<1x16xf32>,
        %get3A_99 = vector.shape_cast %get3A_98 : vector<1x16xf32> to vector<16xf32>
        %abs3A_100 = math.absf %get3A_99 : vector<16xf32>
        %add3A_101 = arith.addf %add3A_94, %abs3A_100 : vector<16xf32>
        %scan3A_102 = arith.constant 12 : i32
        %get3A_103 = arith.index_cast %scan3A_102 : i32 to index
        %get3A_104 = arith.index_cast %mul3A_25 : i32 to index
        %get3A_105 = tpu.vector_load %arg8[%get3A_103, %get3A_104] {strides = array<i32>} : memref<34x1024xf32, #tpu.memory_space<vmem>>, vector<1x16xf32>,
        %get3A_106 = vector.shape_cast %get3A_105 : vector<1x16xf32> to vector<16xf32>
        %abs3A_107 = math.absf %get3A_106 : vector<16xf32>
        %add3A_108 = arith.addf %add3A_101, %abs3A_107 : vector<16xf32>
        %scan3A_109 = arith.constant 13 : i32
        %get3A_110 = arith.index_cast %scan3A_109 : i32 to index
        %get3A_111 = arith.index_cast %mul3A_25 : i32 to index
        %get3A_112 = tpu.vector_load %arg8[%get3A_110, %get3A_111] {strides = array<i32>} : memref<34x1024xf32, #tpu.memory_space<vmem>>, vector<1x16xf32>,
        %get3A_113 = vector.shape_cast %get3A_112 : vector<1x16xf32> to vector<16xf32>
        %abs3A_114 = math.absf %get3A_113 : vector<16xf32>
        %add3A_115 = arith.addf %add3A_108, %abs3A_114 : vector<16xf32>
        %scan3A_116 = arith.constant 14 : i32
        %get3A_117 = arith.index_cast %scan3A_116 : i32 to index
        %get3A_118 = arith.index_cast %mul3A_25 : i32 to index
        %get3A_119 = tpu.vector_load %arg8[%get3A_117, %get3A_118] {strides = array<i32>} : memref<34x1024xf32, #tpu.memory_space<vmem>>, vector<1x16xf32>,
        %get3A_120 = vector.shape_cast %get3A_119 : vector<1x16xf32> to vector<16xf32>
        %abs3A_121 = math.absf %get3A_120 : vector<16xf32>
        %add3A_122 = arith.addf %add3A_115, %abs3A_121 : vector<16xf32>
        %scan3A_123 = arith.constant 15 : i32
        %get3A_124 = arith.index_cast %scan3A_123 : i32 to index
        %get3A_125 = arith.index_cast %mul3A_25 : i32 to index
        %get3A_126 = tpu.vector_load %arg8[%get3A_124, %get3A_125] {strides = array<i32>} : memref<34x1024xf32, #tpu.memory_space<vmem>>, vector<1x16xf32>,
        %get3A_127 = vector.shape_cast %get3A_126 : vector<1x16xf32> to vector<16xf32>
        %abs3A_128 = math.absf %get3A_127 : vector<16xf32>
        %add3A_129 = arith.addf %add3A_122, %abs3A_128 : vector<16xf32>
        %scan3A_130 = arith.constant 16 : i32
        %get3A_131 = arith.index_cast %scan3A_130 : i32 to index
        %get3A_132 = arith.index_cast %mul3A_25 : i32 to index
        %get3A_133 = tpu.vector_load %arg8[%get3A_131, %get3A_132] {strides = array<i32>} : memref<34x1024xf32, #tpu.memory_space<vmem>>, vector<1x16xf32>,
        %get3A_134 = vector.shape_cast %get3A_133 : vector<1x16xf32> to vector<16xf32>
        %abs3A_135 = math.absf %get3A_134 : vector<16xf32>
        %add3A_136 = arith.addf %add3A_129, %abs3A_135 : vector<16xf32>
        %scan3A_137 = arith.constant 17 : i32
        %get3A_138 = arith.index_cast %scan3A_137 : i32 to index
        %get3A_139 = arith.index_cast %mul3A_25 : i32 to index
        %get3A_140 = tpu.vector_load %arg8[%get3A_138, %get3A_139] {strides = array<i32>} : memref<34x1024xf32, #tpu.memory_space<vmem>>, vector<1x16xf32>,
        %get3A_141 = vector.shape_cast %get3A_140 : vector<1x16xf32> to vector<16xf32>
        %abs3A_142 = math.absf %get3A_141 : vector<16xf32>
        %add3A_143 = arith.addf %add3A_136, %abs3A_142 : vector<16xf32>
        %scan3A_144 = arith.constant 18 : i32
        %get3A_145 = arith.index_cast %scan3A_144 : i32 to index
        %get3A_146 = arith.index_cast %mul3A_25 : i32 to index
        %get3A_147 = tpu.vector_load %arg8[%get3A_145, %get3A_146] {strides = array<i32>} : memref<34x1024xf32, #tpu.memory_space<vmem>>, vector<1x16xf32>,
        %get3A_148 = vector.shape_cast %get3A_147 : vector<1x16xf32> to vector<16xf32>
        %abs3A_149 = math.absf %get3A_148 : vector<16xf32>
        %add3A_150 = arith.addf %add3A_143, %abs3A_149 : vector<16xf32>
        %scan3A_151 = arith.constant 19 : i32
        %get3A_152 = arith.index_cast %scan3A_151 : i32 to index
        %get3A_153 = arith.index_cast %mul3A_25 : i32 to index
        %get3A_154 = tpu.vector_load %arg8[%get3A_152, %get3A_153] {strides = array<i32>} : memref<34x1024xf32, #tpu.memory_space<vmem>>, vector<1x16xf32>,
        %get3A_155 = vector.shape_cast %get3A_154 : vector<1x16xf32> to vector<16xf32>
        %abs3A_156 = math.absf %get3A_155 : vector<16xf32>
        %add3A_157 = arith.addf %add3A_150, %abs3A_156 : vector<16xf32>
        %scan3A_158 = arith.constant 20 : i32
        %get3A_159 = arith.index_cast %scan3A_158 : i32 to index
        %get3A_160 = arith.index_cast %mul3A_25 : i32 to index
        %get3A_161 = tpu.vector_load %arg8[%get3A_159, %get3A_160] {strides = array<i32>} : memref<34x1024xf32, #tpu.memory_space<vmem>>, vector<1x16xf32>,
        %get3A_162 = vector.shape_cast %get3A_161 : vector<1x16xf32> to vector<16xf32>
        %abs3A_163 = math.absf %get3A_162 : vector<16xf32>
        %add3A_164 = arith.addf %add3A_157, %abs3A_163 : vector<16xf32>
        %scan3A_165 = arith.constant 21 : i32
        %get3A_166 = arith.index_cast %scan3A_165 : i32 to index
        %get3A_167 = arith.index_cast %mul3A_25 : i32 to index
        %get3A_168 = tpu.vector_load %arg8[%get3A_166, %get3A_167] {strides = array<i32>} : memref<34x1024xf32, #tpu.memory_space<vmem>>, vector<1x16xf32>,
        %get3A_169 = vector.shape_cast %get3A_168 : vector<1x16xf32> to vector<16xf32>
        %abs3A_170 = math.absf %get3A_169 : vector<16xf32>
        %add3A_171 = arith.addf %add3A_164, %abs3A_170 : vector<16xf32>
        %scan3A_172 = arith.constant 22 : i32
        %get3A_173 = arith.index_cast %scan3A_172 : i32 to index
        %get3A_174 = arith.index_cast %mul3A_25 : i32 to index
        %get3A_175 = tpu.vector_load %arg8[%get3A_173, %get3A_174] {strides = array<i32>} : memref<34x1024xf32, #tpu.memory_space<vmem>>, vector<1x16xf32>,
        %get3A_176 = vector.shape_cast %get3A_175 : vector<1x16xf32> to vector<16xf32>
        %abs3A_177 = math.absf %get3A_176 : vector<16xf32>
        %add3A_178 = arith.addf %add3A_171, %abs3A_177 : vector<16xf32>
        %scan3A_179 = arith.constant 23 : i32
        %get3A_180 = arith.index_cast %scan3A_179 : i32 to index
        %get3A_181 = arith.index_cast %mul3A_25 : i32 to index
        %get3A_182 = tpu.vector_load %arg8[%get3A_180, %get3A_181] {strides = array<i32>} : memref<34x1024xf32, #tpu.memory_space<vmem>>, vector<1x16xf32>,
        %get3A_183 = vector.shape_cast %get3A_182 : vector<1x16xf32> to vector<16xf32>
        %abs3A_184 = math.absf %get3A_183 : vector<16xf32>
        %add3A_185 = arith.addf %add3A_178, %abs3A_184 : vector<16xf32>
        %scan3A_186 = arith.constant 24 : i32
        %get3A_187 = arith.index_cast %scan3A_186 : i32 to index
        %get3A_188 = arith.index_cast %mul3A_25 : i32 to index
        %get3A_189 = tpu.vector_load %arg8[%get3A_187, %get3A_188] {strides = array<i32>} : memref<34x1024xf32, #tpu.memory_space<vmem>>, vector<1x16xf32>,
        %get3A_190 = vector.shape_cast %get3A_189 : vector<1x16xf32> to vector<16xf32>
        %abs3A_191 = math.absf %get3A_190 : vector<16xf32>
        %add3A_192 = arith.addf %add3A_185, %abs3A_191 : vector<16xf32>
        %scan3A_193 = arith.constant 25 : i32
        %get3A_194 = arith.index_cast %scan3A_193 : i32 to index
        %get3A_195 = arith.index_cast %mul3A_25 : i32 to index
        %get3A_196 = tpu.vector_load %arg8[%get3A_194, %get3A_195] {strides = array<i32>} : memref<34x1024xf32, #tpu.memory_space<vmem>>, vector<1x16xf32>,
        %get3A_197 = vector.shape_cast %get3A_196 : vector<1x16xf32> to vector<16xf32>
        %abs3A_198 = math.absf %get3A_197 : vector<16xf32>
        %add3A_199 = arith.addf %add3A_192, %abs3A_198 : vector<16xf32>
        %scan3A_200 = arith.constant 26 : i32
        %get3A_201 = arith.index_cast %scan3A_200 : i32 to index
        %get3A_202 = arith.index_cast %mul3A_25 : i32 to index
        %get3A_203 = tpu.vector_load %arg8[%get3A_201, %get3A_202] {strides = array<i32>} : memref<34x1024xf32, #tpu.memory_space<vmem>>, vector<1x16xf32>,
        %get3A_204 = vector.shape_cast %get3A_203 : vector<1x16xf32> to vector<16xf32>
        %abs3A_205 = math.absf %get3A_204 : vector<16xf32>
        %add3A_206 = arith.addf %add3A_199, %abs3A_205 : vector<16xf32>
        %scan3A_207 = arith.constant 27 : i32
        %get3A_208 = arith.index_cast %scan3A_207 : i32 to index
        %get3A_209 = arith.index_cast %mul3A_25 : i32 to index
        %get3A_210 = tpu.vector_load %arg8[%get3A_208, %get3A_209] {strides = array<i32>} : memref<34x1024xf32, #tpu.memory_space<vmem>>, vector<1x16xf32>,
        %get3A_211 = vector.shape_cast %get3A_210 : vector<1x16xf32> to vector<16xf32>
        %abs3A_212 = math.absf %get3A_211 : vector<16xf32>
        %add3A_213 = arith.addf %add3A_206, %abs3A_212 : vector<16xf32>
        %scan3A_214 = arith.constant 28 : i32
        %get3A_215 = arith.index_cast %scan3A_214 : i32 to index
        %get3A_216 = arith.index_cast %mul3A_25 : i32 to index
        %get3A_217 = tpu.vector_load %arg8[%get3A_215, %get3A_216] {strides = array<i32>} : memref<34x1024xf32, #tpu.memory_space<vmem>>, vector<1x16xf32>,
        %get3A_218 = vector.shape_cast %get3A_217 : vector<1x16xf32> to vector<16xf32>
        %abs3A_219 = math.absf %get3A_218 : vector<16xf32>
        %add3A_220 = arith.addf %add3A_213, %abs3A_219 : vector<16xf32>
        %scan3A_221 = arith.constant 29 : i32
        %get3A_222 = arith.index_cast %scan3A_221 : i32 to index
        %get3A_223 = arith.index_cast %mul3A_25 : i32 to index
        %get3A_224 = tpu.vector_load %arg8[%get3A_222, %get3A_223] {strides = array<i32>} : memref<34x1024xf32, #tpu.memory_space<vmem>>, vector<1x16xf32>,
        %get3A_225 = vector.shape_cast %get3A_224 : vector<1x16xf32> to vector<16xf32>
        %abs3A_226 = math.absf %get3A_225 : vector<16xf32>
        %add3A_227 = arith.addf %add3A_220, %abs3A_226 : vector<16xf32>
        %scan3A_228 = arith.constant 30 : i32
        %get3A_229 = arith.index_cast %scan3A_228 : i32 to index
        %get3A_230 = arith.index_cast %mul3A_25 : i32 to index
        %get3A_231 = tpu.vector_load %arg8[%get3A_229, %get3A_230] {strides = array<i32>} : memref<34x1024xf32, #tpu.memory_space<vmem>>, vector<1x16xf32>,
        %get3A_232 = vector.shape_cast %get3A_231 : vector<1x16xf32> to vector<16xf32>
        %abs3A_233 = math.absf %get3A_232 : vector<16xf32>
        %add3A_234 = arith.addf %add3A_227, %abs3A_233 : vector<16xf32>
        %scan3A_235 = arith.constant 31 : i32
        %get3A_236 = arith.index_cast %scan3A_235 : i32 to index
        %get3A_237 = arith.index_cast %mul3A_25 : i32 to index
        %get3A_238 = tpu.vector_load %arg8[%get3A_236, %get3A_237] {strides = array<i32>} : memref<34x1024xf32, #tpu.memory_space<vmem>>, vector<1x16xf32>,
        %get3A_239 = vector.shape_cast %get3A_238 : vector<1x16xf32> to vector<16xf32>
        %abs3A_240 = math.absf %get3A_239 : vector<16xf32>
        %add3A_241 = arith.addf %add3A_234, %abs3A_240 : vector<16xf32>
        %scan3A_242 = arith.constant 32 : i32
        %get3A_243 = arith.index_cast %scan3A_242 : i32 to index
        %get3A_244 = arith.index_cast %mul3A_25 : i32 to index
        %get3A_245 = tpu.vector_load %arg8[%get3A_243, %get3A_244] {strides = array<i32>} : memref<34x1024xf32, #tpu.memory_space<vmem>>, vector<1x16xf32>,
        %get3A_246 = vector.shape_cast %get3A_245 : vector<1x16xf32> to vector<16xf32>
        %abs3A_247 = math.absf %get3A_246 : vector<16xf32>
        %add3A_248 = arith.addf %add3A_241, %abs3A_247 : vector<16xf32>
        %scan3A_249 = arith.constant 33 : i32
        %get3A_250 = arith.index_cast %scan3A_249 : i32 to index
        %get3A_251 = arith.index_cast %mul3A_25 : i32 to index
        %get3A_252 = tpu.vector_load %arg8[%get3A_250, %get3A_251] {strides = array<i32>} : memref<34x1024xf32, #tpu.memory_space<vmem>>, vector<1x16xf32>,
        %get3A_253 = vector.shape_cast %get3A_252 : vector<1x16xf32> to vector<16xf32>
        %abs3A_254 = math.absf %get3A_253 : vector<16xf32>
        %add3A_255 = arith.addf %add3A_248, %abs3A_254 : vector<16xf32>
        %scan3A_256 = arith.constant 33 : i32
        %get3A_257 = arith.constant 0 : i32
        %get3A_258 = arith.index_cast %get3A_257 : i32 to index
        %get3A_259 = arith.index_cast %mul3A_25 : i32 to index
        %get3A_260 = tpu.vector_load %arg8[%get3A_258, %get3A_259] {strides = array<i32>} : memref<34x1024xf32, #tpu.memory_space<vmem>>, vector<1x16xf32>,
        %get3A_261 = vector.shape_cast %get3A_260 : vector<1x16xf32> to vector<16xf32>
        %sub3A = arith.subf %get3A_261, %add3A_255 : vector<16xf32>
        %add3A_262 = arith.addf %get3A_261, %add3A_255 : vector<16xf32>
        %sign3A = tpu.bitcast %sub3A : vector<16xf32> -> vector<16xi32>
        %sign3A_263 = arith.constant -2147483648 : i32
        %sign3A_264 = vector.broadcast %sign3A_263 : i32 to vector<16xi32>
        %sign3A_265 = arith.andi %sign3A, %sign3A_264 : vector<16xi32>
        %sign3A_266 = arith.constant 1065353216 : i32
        %sign3A_267 = vector.broadcast %sign3A_266 : i32 to vector<16xi32>
        %sign3A_268 = arith.ori %sign3A_267, %sign3A_265 : vector<16xi32>
        %sign3A_269 = tpu.bitcast %sign3A_268 : vector<16xi32> -> vector<16xf32>
        %sign3A_270 = math.absf %sub3A : vector<16xf32>
        %sign3A_271 = arith.constant 0.000000e+00 : f32
        %sign3A_272 = vector.broadcast %sign3A_271 : f32 to vector<16xf32>
        %sign3A_273 = arith.cmpf ogt, %sign3A_270, %sign3A_272 : vector<16xf32>
        %sign3A_274 = arith.select %sign3A_273, %sign3A_269, %sub3A : vector<16xi1>, vector<16xf32>
        %sign3A_275 = tpu.bitcast %add3A_262 : vector<16xf32> -> vector<16xi32>
        %sign3A_276 = arith.constant -2147483648 : i32
        %sign3A_277 = vector.broadcast %sign3A_276 : i32 to vector<16xi32>
        %sign3A_278 = arith.andi %sign3A_275, %sign3A_277 : vector<16xi32>
        %sign3A_279 = arith.constant 1065353216 : i32
        %sign3A_280 = vector.broadcast %sign3A_279 : i32 to vector<16xi32>
        %sign3A_281 = arith.ori %sign3A_280, %sign3A_278 : vector<16xi32>
        %sign3A_282 = tpu.bitcast %sign3A_281 : vector<16xi32> -> vector<16xf32>
        %sign3A_283 = math.absf %add3A_262 : vector<16xf32>
        %sign3A_284 = arith.constant 0.000000e+00 : f32
        %sign3A_285 = vector.broadcast %sign3A_284 : f32 to vector<16xf32>
        %sign3A_286 = arith.cmpf ogt, %sign3A_283, %sign3A_285 : vector<16xf32>
        %sign3A_287 = arith.select %sign3A_286, %sign3A_282, %add3A_262 : vector<16xi1>, vector<16xf32>
        %add3A_288 = arith.addf %sign3A_274, %sign3A_287 : vector<16xf32>
        %eq3A = arith.constant 0.000000e+00 : f32
        %eq3A_289 = vector.broadcast %eq3A : f32 to vector<16xf32>
        %eq3A_290 = arith.cmpf oeq, %add3A_288, %eq3A_289 : vector<16xf32>
        %lt3A = arith.constant 0.000000e+00 : f32
        %lt3A_291 = vector.broadcast %lt3A : f32 to vector<16xf32>
        %lt3A_292 = arith.cmpf olt, %add3A_288, %lt3A_291 : vector<16xf32>
        %abs3A_293 = math.absf %add3A_262 : vector<16xf32>
        %abs3A_294 = math.absf %sub3A : vector<16xf32>
        %add3A_295 = arith.addf %abs3A_293, %abs3A_294 : vector<16xf32>
        %gt3A = arith.constant 0.000000e+00 : f32
        %gt3A_296 = vector.broadcast %gt3A : f32 to vector<16xf32>
        %gt3A_297 = arith.cmpf ogt, %add3A_295, %gt3A_296 : vector<16xf32>
        %gt3A_298 = arith.constant 0.000000e+00 : f32
        %gt3A_299 = vector.broadcast %gt3A_298 : f32 to vector<16xf32>
        %gt3A_300 = arith.cmpf ogt, %add3A_295, %gt3A_299 : vector<16xf32>
        %jit3A = arith.constant 1.000000e+00 : f32
        %broadcast_in_dim3A_301 = vector.broadcast %jit3A : f32 to vector<16xf32>
        %select_n3A = arith.select %gt3A_300, %add3A_295, %broadcast_in_dim3A_301 : vector<16xi1>, vector<16xf32>
        %div3A = arith.divf %add3A_262, %select_n3A : vector<16xf32>
        %jit3A_302 = arith.constant 0.000000e+00 : f32
        %broadcast_in_dim3A_303 = vector.broadcast %jit3A_302 : f32 to vector<16xf32>
        %select_n3A_304 = arith.select %gt3A_297, %div3A, %broadcast_in_dim3A_303 : vector<16xi1>, vector<16xf32>
        %sub3A_305 = arith.constant 1.000000e+00 : f32
        %sub3A_306 = vector.broadcast %sub3A_305 : f32 to vector<16xf32>
        %sub3A_307 = arith.subf %sub3A_306, %select_n3A_304 : vector<16xf32>
        %mul3A_308 = arith.mulf %add3A_262, %sub3A_307 : vector<16xf32>
        %mul3A_309 = arith.constant 5.000000e-01 : f32
        %mul3A_310 = vector.broadcast %mul3A_309 : f32 to vector<16xf32>
        %mul3A_311 = arith.mulf %mul3A_308, %mul3A_310 : vector<16xf32>
        %abs3A_312 = math.absf %mul3A_311 : vector<16xf32>
        %mul3A_313 = arith.mulf %select_n3A_304, %get3A_261 : vector<16xf32>
        %add3A_314 = arith.addf %mul3A_313, %mul3A_311 : vector<16xf32>
        %jit3A_315 = arith.constant 0.000000e+00 : f32
        %broadcast_in_dim3A_316 = vector.broadcast %jit3A_315 : f32 to vector<16xf32>
        %select_n3A_317 = arith.select %lt3A_292, %broadcast_in_dim3A_316, %get3A_261 : vector<16xi1>, vector<16xf32>
        %select_n3A_318 = arith.select %eq3A_290, %add3A_314, %select_n3A_317 : vector<16xi1>, vector<16xf32>
        %swap3A = arith.constant 0 : i32
        %swap3A_319 = arith.index_cast %swap3A : i32 to index
        %swap3A_320 = arith.index_cast %mul3A_25 : i32 to index
        %swap3A_321 = tpu.vector_load %arg8[%swap3A_319, %swap3A_320] {strides = array<i32>} : memref<34x1024xf32, #tpu.memory_space<vmem>>, vector<1x16xf32>,
        %swap3A_322 = vector.shape_cast %swap3A_321 : vector<1x16xf32> to vector<16xf32>
        %swap3A_323 = vector.shape_cast %select_n3A_318 : vector<16xf32> to vector<1x16xf32>
        tpu.vector_store %arg8[%swap3A_319, %swap3A_320], %swap3A_323 {strides = array<i32>} : memref<34x1024xf32, #tpu.memory_space<vmem>>, vector<1x16xf32>,
        %broadcast_in_dim3A_324 = arith.constant 0.000000e+00 : f32
        %broadcast_in_dim3A_325 = vector.broadcast %broadcast_in_dim3A_324 : f32 to vector<16xf32>
        %scan3A_326 = arith.constant 1 : i32
        %get3A_327 = arith.index_cast %scan3A_326 : i32 to index
        %get3A_328 = arith.index_cast %mul3A_25 : i32 to index
        %get3A_329 = tpu.vector_load %arg8[%get3A_327, %get3A_328] {strides = array<i32>} : memref<34x1024xf32, #tpu.memory_space<vmem>>, vector<1x16xf32>,
        %get3A_330 = vector.shape_cast %get3A_329 : vector<1x16xf32> to vector<16xf32>
        %mul3A_331 = arith.mulf %select_n3A_304, %get3A_330 : vector<16xf32>
        %jit3A_332 = arith.constant 0.000000e+00 : f32
        %broadcast_in_dim3A_333 = vector.broadcast %jit3A_332 : f32 to vector<16xf32>
        %select_n3A_334 = arith.select %lt3A_292, %broadcast_in_dim3A_333, %get3A_330 : vector<16xi1>, vector<16xf32>
        %select_n3A_335 = arith.select %eq3A_290, %mul3A_331, %select_n3A_334 : vector<16xi1>, vector<16xf32>
        %swap3A_336 = arith.index_cast %scan3A_326 : i32 to index
        %swap3A_337 = arith.index_cast %mul3A_25 : i32 to index
        %swap3A_338 = tpu.vector_load %arg8[%swap3A_336, %swap3A_337] {strides = array<i32>} : memref<34x1024xf32, #tpu.memory_space<vmem>>, vector<1x16xf32>,
        %swap3A_339 = vector.shape_cast %swap3A_338 : vector<1x16xf32> to vector<16xf32>
        %swap3A_340 = vector.shape_cast %select_n3A_335 : vector<16xf32> to vector<1x16xf32>
        tpu.vector_store %arg8[%swap3A_336, %swap3A_337], %swap3A_340 {strides = array<i32>} : memref<34x1024xf32, #tpu.memory_space<vmem>>, vector<1x16xf32>,
        %abs3A_341 = math.absf %select_n3A_335 : vector<16xf32>
        %add3A_342 = arith.addf %broadcast_in_dim3A_325, %abs3A_341 : vector<16xf32>
        %scan3A_343 = arith.constant 2 : i32
        %get3A_344 = arith.index_cast %scan3A_343 : i32 to index
        %get3A_345 = arith.index_cast %mul3A_25 : i32 to index
        %get3A_346 = tpu.vector_load %arg8[%get3A_344, %get3A_345] {strides = array<i32>} : memref<34x1024xf32, #tpu.memory_space<vmem>>, vector<1x16xf32>,
        %get3A_347 = vector.shape_cast %get3A_346 : vector<1x16xf32> to vector<16xf32>
        %mul3A_348 = arith.mulf %select_n3A_304, %get3A_347 : vector<16xf32>
        %jit3A_349 = arith.constant 0.000000e+00 : f32
        %broadcast_in_dim3A_350 = vector.broadcast %jit3A_349 : f32 to vector<16xf32>
        %select_n3A_351 = arith.select %lt3A_292, %broadcast_in_dim3A_350, %get3A_347 : vector<16xi1>, vector<16xf32>
        %select_n3A_352 = arith.select %eq3A_290, %mul3A_348, %select_n3A_351 : vector<16xi1>, vector<16xf32>
        %swap3A_353 = arith.index_cast %scan3A_343 : i32 to index
        %swap3A_354 = arith.index_cast %mul3A_25 : i32 to index
        %swap3A_355 = tpu.vector_load %arg8[%swap3A_353, %swap3A_354] {strides = array<i32>} : memref<34x1024xf32, #tpu.memory_space<vmem>>, vector<1x16xf32>,
        %swap3A_356 = vector.shape_cast %swap3A_355 : vector<1x16xf32> to vector<16xf32>
        %swap3A_357 = vector.shape_cast %select_n3A_352 : vector<16xf32> to vector<1x16xf32>
        tpu.vector_store %arg8[%swap3A_353, %swap3A_354], %swap3A_357 {strides = array<i32>} : memref<34x1024xf32, #tpu.memory_space<vmem>>, vector<1x16xf32>,
        %abs3A_358 = math.absf %select_n3A_352 : vector<16xf32>
        %add3A_359 = arith.addf %add3A_342, %abs3A_358 : vector<16xf32>
        %scan3A_360 = arith.constant 3 : i32
        %get3A_361 = arith.index_cast %scan3A_360 : i32 to index
        %get3A_362 = arith.index_cast %mul3A_25 : i32 to index
        %get3A_363 = tpu.vector_load %arg8[%get3A_361, %get3A_362] {strides = array<i32>} : memref<34x1024xf32, #tpu.memory_space<vmem>>, vector<1x16xf32>,
        %get3A_364 = vector.shape_cast %get3A_363 : vector<1x16xf32> to vector<16xf32>
        %mul3A_365 = arith.mulf %select_n3A_304, %get3A_364 : vector<16xf32>
        %jit3A_366 = arith.constant 0.000000e+00 : f32
        %broadcast_in_dim3A_367 = vector.broadcast %jit3A_366 : f32 to vector<16xf32>
        %select_n3A_368 = arith.select %lt3A_292, %broadcast_in_dim3A_367, %get3A_364 : vector<16xi1>, vector<16xf32>
        %select_n3A_369 = arith.select %eq3A_290, %mul3A_365, %select_n3A_368 : vector<16xi1>, vector<16xf32>
        %swap3A_370 = arith.index_cast %scan3A_360 : i32 to index
        %swap3A_371 = arith.index_cast %mul3A_25 : i32 to index
        %swap3A_372 = tpu.vector_load %arg8[%swap3A_370, %swap3A_371] {strides = array<i32>} : memref<34x1024xf32, #tpu.memory_space<vmem>>, vector<1x16xf32>,
        %swap3A_373 = vector.shape_cast %swap3A_372 : vector<1x16xf32> to vector<16xf32>
        %swap3A_374 = vector.shape_cast %select_n3A_369 : vector<16xf32> to vector<1x16xf32>
        tpu.vector_store %arg8[%swap3A_370, %swap3A_371], %swap3A_374 {strides = array<i32>} : memref<34x1024xf32, #tpu.memory_space<vmem>>, vector<1x16xf32>,
        %abs3A_375 = math.absf %select_n3A_369 : vector<16xf32>
        %add3A_376 = arith.addf %add3A_359, %abs3A_375 : vector<16xf32>
        %scan3A_377 = arith.constant 4 : i32
        %get3A_378 = arith.index_cast %scan3A_377 : i32 to index
        %get3A_379 = arith.index_cast %mul3A_25 : i32 to index
        %get3A_380 = tpu.vector_load %arg8[%get3A_378, %get3A_379] {strides = array<i32>} : memref<34x1024xf32, #tpu.memory_space<vmem>>, vector<1x16xf32>,
        %get3A_381 = vector.shape_cast %get3A_380 : vector<1x16xf32> to vector<16xf32>
        %mul3A_382 = arith.mulf %select_n3A_304, %get3A_381 : vector<16xf32>
        %jit3A_383 = arith.constant 0.000000e+00 : f32
        %broadcast_in_dim3A_384 = vector.broadcast %jit3A_383 : f32 to vector<16xf32>
        %select_n3A_385 = arith.select %lt3A_292, %broadcast_in_dim3A_384, %get3A_381 : vector<16xi1>, vector<16xf32>
        %select_n3A_386 = arith.select %eq3A_290, %mul3A_382, %select_n3A_385 : vector<16xi1>, vector<16xf32>
        %swap3A_387 = arith.index_cast %scan3A_377 : i32 to index
        %swap3A_388 = arith.index_cast %mul3A_25 : i32 to index
        %swap3A_389 = tpu.vector_load %arg8[%swap3A_387, %swap3A_388] {strides = array<i32>} : memref<34x1024xf32, #tpu.memory_space<vmem>>, vector<1x16xf32>,
        %swap3A_390 = vector.shape_cast %swap3A_389 : vector<1x16xf32> to vector<16xf32>
        %swap3A_391 = vector.shape_cast %select_n3A_386 : vector<16xf32> to vector<1x16xf32>
        tpu.vector_store %arg8[%swap3A_387, %swap3A_388], %swap3A_391 {strides = array<i32>} : memref<34x1024xf32, #tpu.memory_space<vmem>>, vector<1x16xf32>,
        %abs3A_392 = math.absf %select_n3A_386 : vector<16xf32>
        %add3A_393 = arith.addf %add3A_376, %abs3A_392 : vector<16xf32>
        %scan3A_394 = arith.constant 5 : i32
        %get3A_395 = arith.index_cast %scan3A_394 : i32 to index
        %get3A_396 = arith.index_cast %mul3A_25 : i32 to index
        %get3A_397 = tpu.vector_load %arg8[%get3A_395, %get3A_396] {strides = array<i32>} : memref<34x1024xf32, #tpu.memory_space<vmem>>, vector<1x16xf32>,
        %get3A_398 = vector.shape_cast %get3A_397 : vector<1x16xf32> to vector<16xf32>
        %mul3A_399 = arith.mulf %select_n3A_304, %get3A_398 : vector<16xf32>
        %jit3A_400 = arith.constant 0.000000e+00 : f32
        %broadcast_in_dim3A_401 = vector.broadcast %jit3A_400 : f32 to vector<16xf32>
        %select_n3A_402 = arith.select %lt3A_292, %broadcast_in_dim3A_401, %get3A_398 : vector<16xi1>, vector<16xf32>
        %select_n3A_403 = arith.select %eq3A_290, %mul3A_399, %select_n3A_402 : vector<16xi1>, vector<16xf32>
        %swap3A_404 = arith.index_cast %scan3A_394 : i32 to index
        %swap3A_405 = arith.index_cast %mul3A_25 : i32 to index
        %swap3A_406 = tpu.vector_load %arg8[%swap3A_404, %swap3A_405] {strides = array<i32>} : memref<34x1024xf32, #tpu.memory_space<vmem>>, vector<1x16xf32>,
        %swap3A_407 = vector.shape_cast %swap3A_406 : vector<1x16xf32> to vector<16xf32>
        %swap3A_408 = vector.shape_cast %select_n3A_403 : vector<16xf32> to vector<1x16xf32>
        tpu.vector_store %arg8[%swap3A_404, %swap3A_405], %swap3A_408 {strides = array<i32>} : memref<34x1024xf32, #tpu.memory_space<vmem>>, vector<1x16xf32>,
        %abs3A_409 = math.absf %select_n3A_403 : vector<16xf32>
        %add3A_410 = arith.addf %add3A_393, %abs3A_409 : vector<16xf32>
        %scan3A_411 = arith.constant 6 : i32
        %get3A_412 = arith.index_cast %scan3A_411 : i32 to index
        %get3A_413 = arith.index_cast %mul3A_25 : i32 to index
        %get3A_414 = tpu.vector_load %arg8[%get3A_412, %get3A_413] {strides = array<i32>} : memref<34x1024xf32, #tpu.memory_space<vmem>>, vector<1x16xf32>,
        %get3A_415 = vector.shape_cast %get3A_414 : vector<1x16xf32> to vector<16xf32>
        %mul3A_416 = arith.mulf %select_n3A_304, %get3A_415 : vector<16xf32>
        %jit3A_417 = arith.constant 0.000000e+00 : f32
        %broadcast_in_dim3A_418 = vector.broadcast %jit3A_417 : f32 to vector<16xf32>
        %select_n3A_419 = arith.select %lt3A_292, %broadcast_in_dim3A_418, %get3A_415 : vector<16xi1>, vector<16xf32>
        %select_n3A_420 = arith.select %eq3A_290, %mul3A_416, %select_n3A_419 : vector<16xi1>, vector<16xf32>
        %swap3A_421 = arith.index_cast %scan3A_411 : i32 to index
        %swap3A_422 = arith.index_cast %mul3A_25 : i32 to index
        %swap3A_423 = tpu.vector_load %arg8[%swap3A_421, %swap3A_422] {strides = array<i32>} : memref<34x1024xf32, #tpu.memory_space<vmem>>, vector<1x16xf32>,
        %swap3A_424 = vector.shape_cast %swap3A_423 : vector<1x16xf32> to vector<16xf32>
        %swap3A_425 = vector.shape_cast %select_n3A_420 : vector<16xf32> to vector<1x16xf32>
        tpu.vector_store %arg8[%swap3A_421, %swap3A_422], %swap3A_425 {strides = array<i32>} : memref<34x1024xf32, #tpu.memory_space<vmem>>, vector<1x16xf32>,
        %abs3A_426 = math.absf %select_n3A_420 : vector<16xf32>
        %add3A_427 = arith.addf %add3A_410, %abs3A_426 : vector<16xf32>
        %scan3A_428 = arith.constant 7 : i32
        %get3A_429 = arith.index_cast %scan3A_428 : i32 to index
        %get3A_430 = arith.index_cast %mul3A_25 : i32 to index
        %get3A_431 = tpu.vector_load %arg8[%get3A_429, %get3A_430] {strides = array<i32>} : memref<34x1024xf32, #tpu.memory_space<vmem>>, vector<1x16xf32>,
        %get3A_432 = vector.shape_cast %get3A_431 : vector<1x16xf32> to vector<16xf32>
        %mul3A_433 = arith.mulf %select_n3A_304, %get3A_432 : vector<16xf32>
        %jit3A_434 = arith.constant 0.000000e+00 : f32
        %broadcast_in_dim3A_435 = vector.broadcast %jit3A_434 : f32 to vector<16xf32>
        %select_n3A_436 = arith.select %lt3A_292, %broadcast_in_dim3A_435, %get3A_432 : vector<16xi1>, vector<16xf32>
        %select_n3A_437 = arith.select %eq3A_290, %mul3A_433, %select_n3A_436 : vector<16xi1>, vector<16xf32>
        %swap3A_438 = arith.index_cast %scan3A_428 : i32 to index
        %swap3A_439 = arith.index_cast %mul3A_25 : i32 to index
        %swap3A_440 = tpu.vector_load %arg8[%swap3A_438, %swap3A_439] {strides = array<i32>} : memref<34x1024xf32, #tpu.memory_space<vmem>>, vector<1x16xf32>,
        %swap3A_441 = vector.shape_cast %swap3A_440 : vector<1x16xf32> to vector<16xf32>
        %swap3A_442 = vector.shape_cast %select_n3A_437 : vector<16xf32> to vector<1x16xf32>
        tpu.vector_store %arg8[%swap3A_438, %swap3A_439], %swap3A_442 {strides = array<i32>} : memref<34x1024xf32, #tpu.memory_space<vmem>>, vector<1x16xf32>,
        %abs3A_443 = math.absf %select_n3A_437 : vector<16xf32>
        %add3A_444 = arith.addf %add3A_427, %abs3A_443 : vector<16xf32>
        %scan3A_445 = arith.constant 8 : i32
        %get3A_446 = arith.index_cast %scan3A_445 : i32 to index
        %get3A_447 = arith.index_cast %mul3A_25 : i32 to index
        %get3A_448 = tpu.vector_load %arg8[%get3A_446, %get3A_447] {strides = array<i32>} : memref<34x1024xf32, #tpu.memory_space<vmem>>, vector<1x16xf32>,
        %get3A_449 = vector.shape_cast %get3A_448 : vector<1x16xf32> to vector<16xf32>
        %mul3A_450 = arith.mulf %select_n3A_304, %get3A_449 : vector<16xf32>
        %jit3A_451 = arith.constant 0.000000e+00 : f32
        %broadcast_in_dim3A_452 = vector.broadcast %jit3A_451 : f32 to vector<16xf32>
        %select_n3A_453 = arith.select %lt3A_292, %broadcast_in_dim3A_452, %get3A_449 : vector<16xi1>, vector<16xf32>
        %select_n3A_454 = arith.select %eq3A_290, %mul3A_450, %select_n3A_453 : vector<16xi1>, vector<16xf32>
        %swap3A_455 = arith.index_cast %scan3A_445 : i32 to index
        %swap3A_456 = arith.index_cast %mul3A_25 : i32 to index
        %swap3A_457 = tpu.vector_load %arg8[%swap3A_455, %swap3A_456] {strides = array<i32>} : memref<34x1024xf32, #tpu.memory_space<vmem>>, vector<1x16xf32>,
        %swap3A_458 = vector.shape_cast %swap3A_457 : vector<1x16xf32> to vector<16xf32>
        %swap3A_459 = vector.shape_cast %select_n3A_454 : vector<16xf32> to vector<1x16xf32>
        tpu.vector_store %arg8[%swap3A_455, %swap3A_456], %swap3A_459 {strides = array<i32>} : memref<34x1024xf32, #tpu.memory_space<vmem>>, vector<1x16xf32>,
        %abs3A_460 = math.absf %select_n3A_454 : vector<16xf32>
        %add3A_461 = arith.addf %add3A_444, %abs3A_460 : vector<16xf32>
        %scan3A_462 = arith.constant 9 : i32
        %get3A_463 = arith.index_cast %scan3A_462 : i32 to index
        %get3A_464 = arith.index_cast %mul3A_25 : i32 to index
        %get3A_465 = tpu.vector_load %arg8[%get3A_463, %get3A_464] {strides = array<i32>} : memref<34x1024xf32, #tpu.memory_space<vmem>>, vector<1x16xf32>,
        %get3A_466 = vector.shape_cast %get3A_465 : vector<1x16xf32> to vector<16xf32>
        %mul3A_467 = arith.mulf %select_n3A_304, %get3A_466 : vector<16xf32>
        %jit3A_468 = arith.constant 0.000000e+00 : f32
        %broadcast_in_dim3A_469 = vector.broadcast %jit3A_468 : f32 to vector<16xf32>
        %select_n3A_470 = arith.select %lt3A_292, %broadcast_in_dim3A_469, %get3A_466 : vector<16xi1>, vector<16xf32>
        %select_n3A_471 = arith.select %eq3A_290, %mul3A_467, %select_n3A_470 : vector<16xi1>, vector<16xf32>
        %swap3A_472 = arith.index_cast %scan3A_462 : i32 to index
        %swap3A_473 = arith.index_cast %mul3A_25 : i32 to index
        %swap3A_474 = tpu.vector_load %arg8[%swap3A_472, %swap3A_473] {strides = array<i32>} : memref<34x1024xf32, #tpu.memory_space<vmem>>, vector<1x16xf32>,
        %swap3A_475 = vector.shape_cast %swap3A_474 : vector<1x16xf32> to vector<16xf32>
        %swap3A_476 = vector.shape_cast %select_n3A_471 : vector<16xf32> to vector<1x16xf32>
        tpu.vector_store %arg8[%swap3A_472, %swap3A_473], %swap3A_476 {strides = array<i32>} : memref<34x1024xf32, #tpu.memory_space<vmem>>, vector<1x16xf32>,
        %abs3A_477 = math.absf %select_n3A_471 : vector<16xf32>
        %add3A_478 = arith.addf %add3A_461, %abs3A_477 : vector<16xf32>
        %scan3A_479 = arith.constant 10 : i32
        %get3A_480 = arith.index_cast %scan3A_479 : i32 to index
        %get3A_481 = arith.index_cast %mul3A_25 : i32 to index
        %get3A_482 = tpu.vector_load %arg8[%get3A_480, %get3A_481] {strides = array<i32>} : memref<34x1024xf32, #tpu.memory_space<vmem>>, vector<1x16xf32>,
        %get3A_483 = vector.shape_cast %get3A_482 : vector<1x16xf32> to vector<16xf32>
        %mul3A_484 = arith.mulf %select_n3A_304, %get3A_483 : vector<16xf32>
        %jit3A_485 = arith.constant 0.000000e+00 : f32
        %broadcast_in_dim3A_486 = vector.broadcast %jit3A_485 : f32 to vector<16xf32>
        %select_n3A_487 = arith.select %lt3A_292, %broadcast_in_dim3A_486, %get3A_483 : vector<16xi1>, vector<16xf32>
        %select_n3A_488 = arith.select %eq3A_290, %mul3A_484, %select_n3A_487 : vector<16xi1>, vector<16xf32>
        %swap3A_489 = arith.index_cast %scan3A_479 : i32 to index
        %swap3A_490 = arith.index_cast %mul3A_25 : i32 to index
        %swap3A_491 = tpu.vector_load %arg8[%swap3A_489, %swap3A_490] {strides = array<i32>} : memref<34x1024xf32, #tpu.memory_space<vmem>>, vector<1x16xf32>,
        %swap3A_492 = vector.shape_cast %swap3A_491 : vector<1x16xf32> to vector<16xf32>
        %swap3A_493 = vector.shape_cast %select_n3A_488 : vector<16xf32> to vector<1x16xf32>
        tpu.vector_store %arg8[%swap3A_489, %swap3A_490], %swap3A_493 {strides = array<i32>} : memref<34x1024xf32, #tpu.memory_space<vmem>>, vector<1x16xf32>,
        %abs3A_494 = math.absf %select_n3A_488 : vector<16xf32>
        %add3A_495 = arith.addf %add3A_478, %abs3A_494 : vector<16xf32>
        %scan3A_496 = arith.constant 11 : i32
        %get3A_497 = arith.index_cast %scan3A_496 : i32 to index
        %get3A_498 = arith.index_cast %mul3A_25 : i32 to index
        %get3A_499 = tpu.vector_load %arg8[%get3A_497, %get3A_498] {strides = array<i32>} : memref<34x1024xf32, #tpu.memory_space<vmem>>, vector<1x16xf32>,
        %get3A_500 = vector.shape_cast %get3A_499 : vector<1x16xf32> to vector<16xf32>
        %mul3A_501 = arith.mulf %select_n3A_304, %get3A_500 : vector<16xf32>
        %jit3A_502 = arith.constant 0.000000e+00 : f32
        %broadcast_in_dim3A_503 = vector.broadcast %jit3A_502 : f32 to vector<16xf32>
        %select_n3A_504 = arith.select %lt3A_292, %broadcast_in_dim3A_503, %get3A_500 : vector<16xi1>, vector<16xf32>
        %select_n3A_505 = arith.select %eq3A_290, %mul3A_501, %select_n3A_504 : vector<16xi1>, vector<16xf32>
        %swap3A_506 = arith.index_cast %scan3A_496 : i32 to index
        %swap3A_507 = arith.index_cast %mul3A_25 : i32 to index
        %swap3A_508 = tpu.vector_load %arg8[%swap3A_506, %swap3A_507] {strides = array<i32>} : memref<34x1024xf32, #tpu.memory_space<vmem>>, vector<1x16xf32>,
        %swap3A_509 = vector.shape_cast %swap3A_508 : vector<1x16xf32> to vector<16xf32>
        %swap3A_510 = vector.shape_cast %select_n3A_505 : vector<16xf32> to vector<1x16xf32>
        tpu.vector_store %arg8[%swap3A_506, %swap3A_507], %swap3A_510 {strides = array<i32>} : memref<34x1024xf32, #tpu.memory_space<vmem>>, vector<1x16xf32>,
        %abs3A_511 = math.absf %select_n3A_505 : vector<16xf32>
        %add3A_512 = arith.addf %add3A_495, %abs3A_511 : vector<16xf32>
        %scan3A_513 = arith.constant 12 : i32
        %get3A_514 = arith.index_cast %scan3A_513 : i32 to index
        %get3A_515 = arith.index_cast %mul3A_25 : i32 to index
        %get3A_516 = tpu.vector_load %arg8[%get3A_514, %get3A_515] {strides = array<i32>} : memref<34x1024xf32, #tpu.memory_space<vmem>>, vector<1x16xf32>,
        %get3A_517 = vector.shape_cast %get3A_516 : vector<1x16xf32> to vector<16xf32>
        %mul3A_518 = arith.mulf %select_n3A_304, %get3A_517 : vector<16xf32>
        %jit3A_519 = arith.constant 0.000000e+00 : f32
        %broadcast_in_dim3A_520 = vector.broadcast %jit3A_519 : f32 to vector<16xf32>
        %select_n3A_521 = arith.select %lt3A_292, %broadcast_in_dim3A_520, %get3A_517 : vector<16xi1>, vector<16xf32>
        %select_n3A_522 = arith.select %eq3A_290, %mul3A_518, %select_n3A_521 : vector<16xi1>, vector<16xf32>
        %swap3A_523 = arith.index_cast %scan3A_513 : i32 to index
        %swap3A_524 = arith.index_cast %mul3A_25 : i32 to index
        %swap3A_525 = tpu.vector_load %arg8[%swap3A_523, %swap3A_524] {strides = array<i32>} : memref<34x1024xf32, #tpu.memory_space<vmem>>, vector<1x16xf32>,
        %swap3A_526 = vector.shape_cast %swap3A_525 : vector<1x16xf32> to vector<16xf32>
        %swap3A_527 = vector.shape_cast %select_n3A_522 : vector<16xf32> to vector<1x16xf32>
        tpu.vector_store %arg8[%swap3A_523, %swap3A_524], %swap3A_527 {strides = array<i32>} : memref<34x1024xf32, #tpu.memory_space<vmem>>, vector<1x16xf32>,
        %abs3A_528 = math.absf %select_n3A_522 : vector<16xf32>
        %add3A_529 = arith.addf %add3A_512, %abs3A_528 : vector<16xf32>
        %scan3A_530 = arith.constant 13 : i32
        %get3A_531 = arith.index_cast %scan3A_530 : i32 to index
        %get3A_532 = arith.index_cast %mul3A_25 : i32 to index
        %get3A_533 = tpu.vector_load %arg8[%get3A_531, %get3A_532] {strides = array<i32>} : memref<34x1024xf32, #tpu.memory_space<vmem>>, vector<1x16xf32>,
        %get3A_534 = vector.shape_cast %get3A_533 : vector<1x16xf32> to vector<16xf32>
        %mul3A_535 = arith.mulf %select_n3A_304, %get3A_534 : vector<16xf32>
        %jit3A_536 = arith.constant 0.000000e+00 : f32
        %broadcast_in_dim3A_537 = vector.broadcast %jit3A_536 : f32 to vector<16xf32>
        %select_n3A_538 = arith.select %lt3A_292, %broadcast_in_dim3A_537, %get3A_534 : vector<16xi1>, vector<16xf32>
        %select_n3A_539 = arith.select %eq3A_290, %mul3A_535, %select_n3A_538 : vector<16xi1>, vector<16xf32>
        %swap3A_540 = arith.index_cast %scan3A_530 : i32 to index
        %swap3A_541 = arith.index_cast %mul3A_25 : i32 to index
        %swap3A_542 = tpu.vector_load %arg8[%swap3A_540, %swap3A_541] {strides = array<i32>} : memref<34x1024xf32, #tpu.memory_space<vmem>>, vector<1x16xf32>,
        %swap3A_543 = vector.shape_cast %swap3A_542 : vector<1x16xf32> to vector<16xf32>
        %swap3A_544 = vector.shape_cast %select_n3A_539 : vector<16xf32> to vector<1x16xf32>
        tpu.vector_store %arg8[%swap3A_540, %swap3A_541], %swap3A_544 {strides = array<i32>} : memref<34x1024xf32, #tpu.memory_space<vmem>>, vector<1x16xf32>,
        %abs3A_545 = math.absf %select_n3A_539 : vector<16xf32>
        %add3A_546 = arith.addf %add3A_529, %abs3A_545 : vector<16xf32>
        %scan3A_547 = arith.constant 14 : i32
        %get3A_548 = arith.index_cast %scan3A_547 : i32 to index
        %get3A_549 = arith.index_cast %mul3A_25 : i32 to index
        %get3A_550 = tpu.vector_load %arg8[%get3A_548, %get3A_549] {strides = array<i32>} : memref<34x1024xf32, #tpu.memory_space<vmem>>, vector<1x16xf32>,
        %get3A_551 = vector.shape_cast %get3A_550 : vector<1x16xf32> to vector<16xf32>
        %mul3A_552 = arith.mulf %select_n3A_304, %get3A_551 : vector<16xf32>
        %jit3A_553 = arith.constant 0.000000e+00 : f32
        %broadcast_in_dim3A_554 = vector.broadcast %jit3A_553 : f32 to vector<16xf32>
        %select_n3A_555 = arith.select %lt3A_292, %broadcast_in_dim3A_554, %get3A_551 : vector<16xi1>, vector<16xf32>
        %select_n3A_556 = arith.select %eq3A_290, %mul3A_552, %select_n3A_555 : vector<16xi1>, vector<16xf32>
        %swap3A_557 = arith.index_cast %scan3A_547 : i32 to index
        %swap3A_558 = arith.index_cast %mul3A_25 : i32 to index
        %swap3A_559 = tpu.vector_load %arg8[%swap3A_557, %swap3A_558] {strides = array<i32>} : memref<34x1024xf32, #tpu.memory_space<vmem>>, vector<1x16xf32>,
        %swap3A_560 = vector.shape_cast %swap3A_559 : vector<1x16xf32> to vector<16xf32>
        %swap3A_561 = vector.shape_cast %select_n3A_556 : vector<16xf32> to vector<1x16xf32>
        tpu.vector_store %arg8[%swap3A_557, %swap3A_558], %swap3A_561 {strides = array<i32>} : memref<34x1024xf32, #tpu.memory_space<vmem>>, vector<1x16xf32>,
        %abs3A_562 = math.absf %select_n3A_556 : vector<16xf32>
        %add3A_563 = arith.addf %add3A_546, %abs3A_562 : vector<16xf32>
        %scan3A_564 = arith.constant 15 : i32
        %get3A_565 = arith.index_cast %scan3A_564 : i32 to index
        %get3A_566 = arith.index_cast %mul3A_25 : i32 to index
        %get3A_567 = tpu.vector_load %arg8[%get3A_565, %get3A_566] {strides = array<i32>} : memref<34x1024xf32, #tpu.memory_space<vmem>>, vector<1x16xf32>,
        %get3A_568 = vector.shape_cast %get3A_567 : vector<1x16xf32> to vector<16xf32>
        %mul3A_569 = arith.mulf %select_n3A_304, %get3A_568 : vector<16xf32>
        %jit3A_570 = arith.constant 0.000000e+00 : f32
        %broadcast_in_dim3A_571 = vector.broadcast %jit3A_570 : f32 to vector<16xf32>
        %select_n3A_572 = arith.select %lt3A_292, %broadcast_in_dim3A_571, %get3A_568 : vector<16xi1>, vector<16xf32>
        %select_n3A_573 = arith.select %eq3A_290, %mul3A_569, %select_n3A_572 : vector<16xi1>, vector<16xf32>
        %swap3A_574 = arith.index_cast %scan3A_564 : i32 to index
        %swap3A_575 = arith.index_cast %mul3A_25 : i32 to index
        %swap3A_576 = tpu.vector_load %arg8[%swap3A_574, %swap3A_575] {strides = array<i32>} : memref<34x1024xf32, #tpu.memory_space<vmem>>, vector<1x16xf32>,
        %swap3A_577 = vector.shape_cast %swap3A_576 : vector<1x16xf32> to vector<16xf32>
        %swap3A_578 = vector.shape_cast %select_n3A_573 : vector<16xf32> to vector<1x16xf32>
        tpu.vector_store %arg8[%swap3A_574, %swap3A_575], %swap3A_578 {strides = array<i32>} : memref<34x1024xf32, #tpu.memory_space<vmem>>, vector<1x16xf32>,
        %abs3A_579 = math.absf %select_n3A_573 : vector<16xf32>
        %add3A_580 = arith.addf %add3A_563, %abs3A_579 : vector<16xf32>
        %scan3A_581 = arith.constant 16 : i32
        %get3A_582 = arith.index_cast %scan3A_581 : i32 to index
        %get3A_583 = arith.index_cast %mul3A_25 : i32 to index
        %get3A_584 = tpu.vector_load %arg8[%get3A_582, %get3A_583] {strides = array<i32>} : memref<34x1024xf32, #tpu.memory_space<vmem>>, vector<1x16xf32>,
        %get3A_585 = vector.shape_cast %get3A_584 : vector<1x16xf32> to vector<16xf32>
        %mul3A_586 = arith.mulf %select_n3A_304, %get3A_585 : vector<16xf32>
        %jit3A_587 = arith.constant 0.000000e+00 : f32
        %broadcast_in_dim3A_588 = vector.broadcast %jit3A_587 : f32 to vector<16xf32>
        %select_n3A_589 = arith.select %lt3A_292, %broadcast_in_dim3A_588, %get3A_585 : vector<16xi1>, vector<16xf32>
        %select_n3A_590 = arith.select %eq3A_290, %mul3A_586, %select_n3A_589 : vector<16xi1>, vector<16xf32>
        %swap3A_591 = arith.index_cast %scan3A_581 : i32 to index
        %swap3A_592 = arith.index_cast %mul3A_25 : i32 to index
        %swap3A_593 = tpu.vector_load %arg8[%swap3A_591, %swap3A_592] {strides = array<i32>} : memref<34x1024xf32, #tpu.memory_space<vmem>>, vector<1x16xf32>,
        %swap3A_594 = vector.shape_cast %swap3A_593 : vector<1x16xf32> to vector<16xf32>
        %swap3A_595 = vector.shape_cast %select_n3A_590 : vector<16xf32> to vector<1x16xf32>
        tpu.vector_store %arg8[%swap3A_591, %swap3A_592], %swap3A_595 {strides = array<i32>} : memref<34x1024xf32, #tpu.memory_space<vmem>>, vector<1x16xf32>,
        %abs3A_596 = math.absf %select_n3A_590 : vector<16xf32>
        %add3A_597 = arith.addf %add3A_580, %abs3A_596 : vector<16xf32>
        %scan3A_598 = arith.constant 17 : i32
        %get3A_599 = arith.index_cast %scan3A_598 : i32 to index
        %get3A_600 = arith.index_cast %mul3A_25 : i32 to index
        %get3A_601 = tpu.vector_load %arg8[%get3A_599, %get3A_600] {strides = array<i32>} : memref<34x1024xf32, #tpu.memory_space<vmem>>, vector<1x16xf32>,
        %get3A_602 = vector.shape_cast %get3A_601 : vector<1x16xf32> to vector<16xf32>
        %mul3A_603 = arith.mulf %select_n3A_304, %get3A_602 : vector<16xf32>
        %jit3A_604 = arith.constant 0.000000e+00 : f32
        %broadcast_in_dim3A_605 = vector.broadcast %jit3A_604 : f32 to vector<16xf32>
        %select_n3A_606 = arith.select %lt3A_292, %broadcast_in_dim3A_605, %get3A_602 : vector<16xi1>, vector<16xf32>
        %select_n3A_607 = arith.select %eq3A_290, %mul3A_603, %select_n3A_606 : vector<16xi1>, vector<16xf32>
        %swap3A_608 = arith.index_cast %scan3A_598 : i32 to index
        %swap3A_609 = arith.index_cast %mul3A_25 : i32 to index
        %swap3A_610 = tpu.vector_load %arg8[%swap3A_608, %swap3A_609] {strides = array<i32>} : memref<34x1024xf32, #tpu.memory_space<vmem>>, vector<1x16xf32>,
        %swap3A_611 = vector.shape_cast %swap3A_610 : vector<1x16xf32> to vector<16xf32>
        %swap3A_612 = vector.shape_cast %select_n3A_607 : vector<16xf32> to vector<1x16xf32>
        tpu.vector_store %arg8[%swap3A_608, %swap3A_609], %swap3A_612 {strides = array<i32>} : memref<34x1024xf32, #tpu.memory_space<vmem>>, vector<1x16xf32>,
        %abs3A_613 = math.absf %select_n3A_607 : vector<16xf32>
        %add3A_614 = arith.addf %add3A_597, %abs3A_613 : vector<16xf32>
        %scan3A_615 = arith.constant 18 : i32
        %get3A_616 = arith.index_cast %scan3A_615 : i32 to index
        %get3A_617 = arith.index_cast %mul3A_25 : i32 to index
        %get3A_618 = tpu.vector_load %arg8[%get3A_616, %get3A_617] {strides = array<i32>} : memref<34x1024xf32, #tpu.memory_space<vmem>>, vector<1x16xf32>,
        %get3A_619 = vector.shape_cast %get3A_618 : vector<1x16xf32> to vector<16xf32>
        %mul3A_620 = arith.mulf %select_n3A_304, %get3A_619 : vector<16xf32>
        %jit3A_621 = arith.constant 0.000000e+00 : f32
        %broadcast_in_dim3A_622 = vector.broadcast %jit3A_621 : f32 to vector<16xf32>
        %select_n3A_623 = arith.select %lt3A_292, %broadcast_in_dim3A_622, %get3A_619 : vector<16xi1>, vector<16xf32>
        %select_n3A_624 = arith.select %eq3A_290, %mul3A_620, %select_n3A_623 : vector<16xi1>, vector<16xf32>
        %swap3A_625 = arith.index_cast %scan3A_615 : i32 to index
        %swap3A_626 = arith.index_cast %mul3A_25 : i32 to index
        %swap3A_627 = tpu.vector_load %arg8[%swap3A_625, %swap3A_626] {strides = array<i32>} : memref<34x1024xf32, #tpu.memory_space<vmem>>, vector<1x16xf32>,
        %swap3A_628 = vector.shape_cast %swap3A_627 : vector<1x16xf32> to vector<16xf32>
        %swap3A_629 = vector.shape_cast %select_n3A_624 : vector<16xf32> to vector<1x16xf32>
        tpu.vector_store %arg8[%swap3A_625, %swap3A_626], %swap3A_629 {strides = array<i32>} : memref<34x1024xf32, #tpu.memory_space<vmem>>, vector<1x16xf32>,
        %abs3A_630 = math.absf %select_n3A_624 : vector<16xf32>
        %add3A_631 = arith.addf %add3A_614, %abs3A_630 : vector<16xf32>
        %scan3A_632 = arith.constant 19 : i32
        %get3A_633 = arith.index_cast %scan3A_632 : i32 to index
        %get3A_634 = arith.index_cast %mul3A_25 : i32 to index
        %get3A_635 = tpu.vector_load %arg8[%get3A_633, %get3A_634] {strides = array<i32>} : memref<34x1024xf32, #tpu.memory_space<vmem>>, vector<1x16xf32>,
        %get3A_636 = vector.shape_cast %get3A_635 : vector<1x16xf32> to vector<16xf32>
        %mul3A_637 = arith.mulf %select_n3A_304, %get3A_636 : vector<16xf32>
        %jit3A_638 = arith.constant 0.000000e+00 : f32
        %broadcast_in_dim3A_639 = vector.broadcast %jit3A_638 : f32 to vector<16xf32>
        %select_n3A_640 = arith.select %lt3A_292, %broadcast_in_dim3A_639, %get3A_636 : vector<16xi1>, vector<16xf32>
        %select_n3A_641 = arith.select %eq3A_290, %mul3A_637, %select_n3A_640 : vector<16xi1>, vector<16xf32>
        %swap3A_642 = arith.index_cast %scan3A_632 : i32 to index
        %swap3A_643 = arith.index_cast %mul3A_25 : i32 to index
        %swap3A_644 = tpu.vector_load %arg8[%swap3A_642, %swap3A_643] {strides = array<i32>} : memref<34x1024xf32, #tpu.memory_space<vmem>>, vector<1x16xf32>,
        %swap3A_645 = vector.shape_cast %swap3A_644 : vector<1x16xf32> to vector<16xf32>
        %swap3A_646 = vector.shape_cast %select_n3A_641 : vector<16xf32> to vector<1x16xf32>
        tpu.vector_store %arg8[%swap3A_642, %swap3A_643], %swap3A_646 {strides = array<i32>} : memref<34x1024xf32, #tpu.memory_space<vmem>>, vector<1x16xf32>,
        %abs3A_647 = math.absf %select_n3A_641 : vector<16xf32>
        %add3A_648 = arith.addf %add3A_631, %abs3A_647 : vector<16xf32>
        %scan3A_649 = arith.constant 20 : i32
        %get3A_650 = arith.index_cast %scan3A_649 : i32 to index
        %get3A_651 = arith.index_cast %mul3A_25 : i32 to index
        %get3A_652 = tpu.vector_load %arg8[%get3A_650, %get3A_651] {strides = array<i32>} : memref<34x1024xf32, #tpu.memory_space<vmem>>, vector<1x16xf32>,
        %get3A_653 = vector.shape_cast %get3A_652 : vector<1x16xf32> to vector<16xf32>
        %mul3A_654 = arith.mulf %select_n3A_304, %get3A_653 : vector<16xf32>
        %jit3A_655 = arith.constant 0.000000e+00 : f32
        %broadcast_in_dim3A_656 = vector.broadcast %jit3A_655 : f32 to vector<16xf32>
        %select_n3A_657 = arith.select %lt3A_292, %broadcast_in_dim3A_656, %get3A_653 : vector<16xi1>, vector<16xf32>
        %select_n3A_658 = arith.select %eq3A_290, %mul3A_654, %select_n3A_657 : vector<16xi1>, vector<16xf32>
        %swap3A_659 = arith.index_cast %scan3A_649 : i32 to index
        %swap3A_660 = arith.index_cast %mul3A_25 : i32 to index
        %swap3A_661 = tpu.vector_load %arg8[%swap3A_659, %swap3A_660] {strides = array<i32>} : memref<34x1024xf32, #tpu.memory_space<vmem>>, vector<1x16xf32>,
        %swap3A_662 = vector.shape_cast %swap3A_661 : vector<1x16xf32> to vector<16xf32>
        %swap3A_663 = vector.shape_cast %select_n3A_658 : vector<16xf32> to vector<1x16xf32>
        tpu.vector_store %arg8[%swap3A_659, %swap3A_660], %swap3A_663 {strides = array<i32>} : memref<34x1024xf32, #tpu.memory_space<vmem>>, vector<1x16xf32>,
        %abs3A_664 = math.absf %select_n3A_658 : vector<16xf32>
        %add3A_665 = arith.addf %add3A_648, %abs3A_664 : vector<16xf32>
        %scan3A_666 = arith.constant 21 : i32
        %get3A_667 = arith.index_cast %scan3A_666 : i32 to index
        %get3A_668 = arith.index_cast %mul3A_25 : i32 to index
        %get3A_669 = tpu.vector_load %arg8[%get3A_667, %get3A_668] {strides = array<i32>} : memref<34x1024xf32, #tpu.memory_space<vmem>>, vector<1x16xf32>,
        %get3A_670 = vector.shape_cast %get3A_669 : vector<1x16xf32> to vector<16xf32>
        %mul3A_671 = arith.mulf %select_n3A_304, %get3A_670 : vector<16xf32>
        %jit3A_672 = arith.constant 0.000000e+00 : f32
        %broadcast_in_dim3A_673 = vector.broadcast %jit3A_672 : f32 to vector<16xf32>
        %select_n3A_674 = arith.select %lt3A_292, %broadcast_in_dim3A_673, %get3A_670 : vector<16xi1>, vector<16xf32>
        %select_n3A_675 = arith.select %eq3A_290, %mul3A_671, %select_n3A_674 : vector<16xi1>, vector<16xf32>
        %swap3A_676 = arith.index_cast %scan3A_666 : i32 to index
        %swap3A_677 = arith.index_cast %mul3A_25 : i32 to index
        %swap3A_678 = tpu.vector_load %arg8[%swap3A_676, %swap3A_677] {strides = array<i32>} : memref<34x1024xf32, #tpu.memory_space<vmem>>, vector<1x16xf32>,
        %swap3A_679 = vector.shape_cast %swap3A_678 : vector<1x16xf32> to vector<16xf32>
        %swap3A_680 = vector.shape_cast %select_n3A_675 : vector<16xf32> to vector<1x16xf32>
        tpu.vector_store %arg8[%swap3A_676, %swap3A_677], %swap3A_680 {strides = array<i32>} : memref<34x1024xf32, #tpu.memory_space<vmem>>, vector<1x16xf32>,
        %abs3A_681 = math.absf %select_n3A_675 : vector<16xf32>
        %add3A_682 = arith.addf %add3A_665, %abs3A_681 : vector<16xf32>
        %scan3A_683 = arith.constant 22 : i32
        %get3A_684 = arith.index_cast %scan3A_683 : i32 to index
        %get3A_685 = arith.index_cast %mul3A_25 : i32 to index
        %get3A_686 = tpu.vector_load %arg8[%get3A_684, %get3A_685] {strides = array<i32>} : memref<34x1024xf32, #tpu.memory_space<vmem>>, vector<1x16xf32>,
        %get3A_687 = vector.shape_cast %get3A_686 : vector<1x16xf32> to vector<16xf32>
        %mul3A_688 = arith.mulf %select_n3A_304, %get3A_687 : vector<16xf32>
        %jit3A_689 = arith.constant 0.000000e+00 : f32
        %broadcast_in_dim3A_690 = vector.broadcast %jit3A_689 : f32 to vector<16xf32>
        %select_n3A_691 = arith.select %lt3A_292, %broadcast_in_dim3A_690, %get3A_687 : vector<16xi1>, vector<16xf32>
        %select_n3A_692 = arith.select %eq3A_290, %mul3A_688, %select_n3A_691 : vector<16xi1>, vector<16xf32>
        %swap3A_693 = arith.index_cast %scan3A_683 : i32 to index
        %swap3A_694 = arith.index_cast %mul3A_25 : i32 to index
        %swap3A_695 = tpu.vector_load %arg8[%swap3A_693, %swap3A_694] {strides = array<i32>} : memref<34x1024xf32, #tpu.memory_space<vmem>>, vector<1x16xf32>,
        %swap3A_696 = vector.shape_cast %swap3A_695 : vector<1x16xf32> to vector<16xf32>
        %swap3A_697 = vector.shape_cast %select_n3A_692 : vector<16xf32> to vector<1x16xf32>
        tpu.vector_store %arg8[%swap3A_693, %swap3A_694], %swap3A_697 {strides = array<i32>} : memref<34x1024xf32, #tpu.memory_space<vmem>>, vector<1x16xf32>,
        %abs3A_698 = math.absf %select_n3A_692 : vector<16xf32>
        %add3A_699 = arith.addf %add3A_682, %abs3A_698 : vector<16xf32>
        %scan3A_700 = arith.constant 23 : i32
        %get3A_701 = arith.index_cast %scan3A_700 : i32 to index
        %get3A_702 = arith.index_cast %mul3A_25 : i32 to index
        %get3A_703 = tpu.vector_load %arg8[%get3A_701, %get3A_702] {strides = array<i32>} : memref<34x1024xf32, #tpu.memory_space<vmem>>, vector<1x16xf32>,
        %get3A_704 = vector.shape_cast %get3A_703 : vector<1x16xf32> to vector<16xf32>
        %mul3A_705 = arith.mulf %select_n3A_304, %get3A_704 : vector<16xf32>
        %jit3A_706 = arith.constant 0.000000e+00 : f32
        %broadcast_in_dim3A_707 = vector.broadcast %jit3A_706 : f32 to vector<16xf32>
        %select_n3A_708 = arith.select %lt3A_292, %broadcast_in_dim3A_707, %get3A_704 : vector<16xi1>, vector<16xf32>
        %select_n3A_709 = arith.select %eq3A_290, %mul3A_705, %select_n3A_708 : vector<16xi1>, vector<16xf32>
        %swap3A_710 = arith.index_cast %scan3A_700 : i32 to index
        %swap3A_711 = arith.index_cast %mul3A_25 : i32 to index
        %swap3A_712 = tpu.vector_load %arg8[%swap3A_710, %swap3A_711] {strides = array<i32>} : memref<34x1024xf32, #tpu.memory_space<vmem>>, vector<1x16xf32>,
        %swap3A_713 = vector.shape_cast %swap3A_712 : vector<1x16xf32> to vector<16xf32>
        %swap3A_714 = vector.shape_cast %select_n3A_709 : vector<16xf32> to vector<1x16xf32>
        tpu.vector_store %arg8[%swap3A_710, %swap3A_711], %swap3A_714 {strides = array<i32>} : memref<34x1024xf32, #tpu.memory_space<vmem>>, vector<1x16xf32>,
        %abs3A_715 = math.absf %select_n3A_709 : vector<16xf32>
        %add3A_716 = arith.addf %add3A_699, %abs3A_715 : vector<16xf32>
        %scan3A_717 = arith.constant 24 : i32
        %get3A_718 = arith.index_cast %scan3A_717 : i32 to index
        %get3A_719 = arith.index_cast %mul3A_25 : i32 to index
        %get3A_720 = tpu.vector_load %arg8[%get3A_718, %get3A_719] {strides = array<i32>} : memref<34x1024xf32, #tpu.memory_space<vmem>>, vector<1x16xf32>,
        %get3A_721 = vector.shape_cast %get3A_720 : vector<1x16xf32> to vector<16xf32>
        %mul3A_722 = arith.mulf %select_n3A_304, %get3A_721 : vector<16xf32>
        %jit3A_723 = arith.constant 0.000000e+00 : f32
        %broadcast_in_dim3A_724 = vector.broadcast %jit3A_723 : f32 to vector<16xf32>
        %select_n3A_725 = arith.select %lt3A_292, %broadcast_in_dim3A_724, %get3A_721 : vector<16xi1>, vector<16xf32>
        %select_n3A_726 = arith.select %eq3A_290, %mul3A_722, %select_n3A_725 : vector<16xi1>, vector<16xf32>
        %swap3A_727 = arith.index_cast %scan3A_717 : i32 to index
        %swap3A_728 = arith.index_cast %mul3A_25 : i32 to index
        %swap3A_729 = tpu.vector_load %arg8[%swap3A_727, %swap3A_728] {strides = array<i32>} : memref<34x1024xf32, #tpu.memory_space<vmem>>, vector<1x16xf32>,
        %swap3A_730 = vector.shape_cast %swap3A_729 : vector<1x16xf32> to vector<16xf32>
        %swap3A_731 = vector.shape_cast %select_n3A_726 : vector<16xf32> to vector<1x16xf32>
        tpu.vector_store %arg8[%swap3A_727, %swap3A_728], %swap3A_731 {strides = array<i32>} : memref<34x1024xf32, #tpu.memory_space<vmem>>, vector<1x16xf32>,
        %abs3A_732 = math.absf %select_n3A_726 : vector<16xf32>
        %add3A_733 = arith.addf %add3A_716, %abs3A_732 : vector<16xf32>
        %scan3A_734 = arith.constant 25 : i32
        %get3A_735 = arith.index_cast %scan3A_734 : i32 to index
        %get3A_736 = arith.index_cast %mul3A_25 : i32 to index
        %get3A_737 = tpu.vector_load %arg8[%get3A_735, %get3A_736] {strides = array<i32>} : memref<34x1024xf32, #tpu.memory_space<vmem>>, vector<1x16xf32>,
        %get3A_738 = vector.shape_cast %get3A_737 : vector<1x16xf32> to vector<16xf32>
        %mul3A_739 = arith.mulf %select_n3A_304, %get3A_738 : vector<16xf32>
        %jit3A_740 = arith.constant 0.000000e+00 : f32
        %broadcast_in_dim3A_741 = vector.broadcast %jit3A_740 : f32 to vector<16xf32>
        %select_n3A_742 = arith.select %lt3A_292, %broadcast_in_dim3A_741, %get3A_738 : vector<16xi1>, vector<16xf32>
        %select_n3A_743 = arith.select %eq3A_290, %mul3A_739, %select_n3A_742 : vector<16xi1>, vector<16xf32>
        %swap3A_744 = arith.index_cast %scan3A_734 : i32 to index
        %swap3A_745 = arith.index_cast %mul3A_25 : i32 to index
        %swap3A_746 = tpu.vector_load %arg8[%swap3A_744, %swap3A_745] {strides = array<i32>} : memref<34x1024xf32, #tpu.memory_space<vmem>>, vector<1x16xf32>,
        %swap3A_747 = vector.shape_cast %swap3A_746 : vector<1x16xf32> to vector<16xf32>
        %swap3A_748 = vector.shape_cast %select_n3A_743 : vector<16xf32> to vector<1x16xf32>
        tpu.vector_store %arg8[%swap3A_744, %swap3A_745], %swap3A_748 {strides = array<i32>} : memref<34x1024xf32, #tpu.memory_space<vmem>>, vector<1x16xf32>,
        %abs3A_749 = math.absf %select_n3A_743 : vector<16xf32>
        %add3A_750 = arith.addf %add3A_733, %abs3A_749 : vector<16xf32>
        %scan3A_751 = arith.constant 26 : i32
        %get3A_752 = arith.index_cast %scan3A_751 : i32 to index
        %get3A_753 = arith.index_cast %mul3A_25 : i32 to index
        %get3A_754 = tpu.vector_load %arg8[%get3A_752, %get3A_753] {strides = array<i32>} : memref<34x1024xf32, #tpu.memory_space<vmem>>, vector<1x16xf32>,
        %get3A_755 = vector.shape_cast %get3A_754 : vector<1x16xf32> to vector<16xf32>
        %mul3A_756 = arith.mulf %select_n3A_304, %get3A_755 : vector<16xf32>
        %jit3A_757 = arith.constant 0.000000e+00 : f32
        %broadcast_in_dim3A_758 = vector.broadcast %jit3A_757 : f32 to vector<16xf32>
        %select_n3A_759 = arith.select %lt3A_292, %broadcast_in_dim3A_758, %get3A_755 : vector<16xi1>, vector<16xf32>
        %select_n3A_760 = arith.select %eq3A_290, %mul3A_756, %select_n3A_759 : vector<16xi1>, vector<16xf32>
        %swap3A_761 = arith.index_cast %scan3A_751 : i32 to index
        %swap3A_762 = arith.index_cast %mul3A_25 : i32 to index
        %swap3A_763 = tpu.vector_load %arg8[%swap3A_761, %swap3A_762] {strides = array<i32>} : memref<34x1024xf32, #tpu.memory_space<vmem>>, vector<1x16xf32>,
        %swap3A_764 = vector.shape_cast %swap3A_763 : vector<1x16xf32> to vector<16xf32>
        %swap3A_765 = vector.shape_cast %select_n3A_760 : vector<16xf32> to vector<1x16xf32>
        tpu.vector_store %arg8[%swap3A_761, %swap3A_762], %swap3A_765 {strides = array<i32>} : memref<34x1024xf32, #tpu.memory_space<vmem>>, vector<1x16xf32>,
        %abs3A_766 = math.absf %select_n3A_760 : vector<16xf32>
        %add3A_767 = arith.addf %add3A_750, %abs3A_766 : vector<16xf32>
        %scan3A_768 = arith.constant 27 : i32
        %get3A_769 = arith.index_cast %scan3A_768 : i32 to index
        %get3A_770 = arith.index_cast %mul3A_25 : i32 to index
        %get3A_771 = tpu.vector_load %arg8[%get3A_769, %get3A_770] {strides = array<i32>} : memref<34x1024xf32, #tpu.memory_space<vmem>>, vector<1x16xf32>,
        %get3A_772 = vector.shape_cast %get3A_771 : vector<1x16xf32> to vector<16xf32>
        %mul3A_773 = arith.mulf %select_n3A_304, %get3A_772 : vector<16xf32>
        %jit3A_774 = arith.constant 0.000000e+00 : f32
        %broadcast_in_dim3A_775 = vector.broadcast %jit3A_774 : f32 to vector<16xf32>
        %select_n3A_776 = arith.select %lt3A_292, %broadcast_in_dim3A_775, %get3A_772 : vector<16xi1>, vector<16xf32>
        %select_n3A_777 = arith.select %eq3A_290, %mul3A_773, %select_n3A_776 : vector<16xi1>, vector<16xf32>
        %swap3A_778 = arith.index_cast %scan3A_768 : i32 to index
        %swap3A_779 = arith.index_cast %mul3A_25 : i32 to index
        %swap3A_780 = tpu.vector_load %arg8[%swap3A_778, %swap3A_779] {strides = array<i32>} : memref<34x1024xf32, #tpu.memory_space<vmem>>, vector<1x16xf32>,
        %swap3A_781 = vector.shape_cast %swap3A_780 : vector<1x16xf32> to vector<16xf32>
        %swap3A_782 = vector.shape_cast %select_n3A_777 : vector<16xf32> to vector<1x16xf32>
        tpu.vector_store %arg8[%swap3A_778, %swap3A_779], %swap3A_782 {strides = array<i32>} : memref<34x1024xf32, #tpu.memory_space<vmem>>, vector<1x16xf32>,
        %abs3A_783 = math.absf %select_n3A_777 : vector<16xf32>
        %add3A_784 = arith.addf %add3A_767, %abs3A_783 : vector<16xf32>
        %scan3A_785 = arith.constant 28 : i32
        %get3A_786 = arith.index_cast %scan3A_785 : i32 to index
        %get3A_787 = arith.index_cast %mul3A_25 : i32 to index
        %get3A_788 = tpu.vector_load %arg8[%get3A_786, %get3A_787] {strides = array<i32>} : memref<34x1024xf32, #tpu.memory_space<vmem>>, vector<1x16xf32>,
        %get3A_789 = vector.shape_cast %get3A_788 : vector<1x16xf32> to vector<16xf32>
        %mul3A_790 = arith.mulf %select_n3A_304, %get3A_789 : vector<16xf32>
        %jit3A_791 = arith.constant 0.000000e+00 : f32
        %broadcast_in_dim3A_792 = vector.broadcast %jit3A_791 : f32 to vector<16xf32>
        %select_n3A_793 = arith.select %lt3A_292, %broadcast_in_dim3A_792, %get3A_789 : vector<16xi1>, vector<16xf32>
        %select_n3A_794 = arith.select %eq3A_290, %mul3A_790, %select_n3A_793 : vector<16xi1>, vector<16xf32>
        %swap3A_795 = arith.index_cast %scan3A_785 : i32 to index
        %swap3A_796 = arith.index_cast %mul3A_25 : i32 to index
        %swap3A_797 = tpu.vector_load %arg8[%swap3A_795, %swap3A_796] {strides = array<i32>} : memref<34x1024xf32, #tpu.memory_space<vmem>>, vector<1x16xf32>,
        %swap3A_798 = vector.shape_cast %swap3A_797 : vector<1x16xf32> to vector<16xf32>
        %swap3A_799 = vector.shape_cast %select_n3A_794 : vector<16xf32> to vector<1x16xf32>
        tpu.vector_store %arg8[%swap3A_795, %swap3A_796], %swap3A_799 {strides = array<i32>} : memref<34x1024xf32, #tpu.memory_space<vmem>>, vector<1x16xf32>,
        %abs3A_800 = math.absf %select_n3A_794 : vector<16xf32>
        %add3A_801 = arith.addf %add3A_784, %abs3A_800 : vector<16xf32>
        %scan3A_802 = arith.constant 29 : i32
        %get3A_803 = arith.index_cast %scan3A_802 : i32 to index
        %get3A_804 = arith.index_cast %mul3A_25 : i32 to index
        %get3A_805 = tpu.vector_load %arg8[%get3A_803, %get3A_804] {strides = array<i32>} : memref<34x1024xf32, #tpu.memory_space<vmem>>, vector<1x16xf32>,
        %get3A_806 = vector.shape_cast %get3A_805 : vector<1x16xf32> to vector<16xf32>
        %mul3A_807 = arith.mulf %select_n3A_304, %get3A_806 : vector<16xf32>
        %jit3A_808 = arith.constant 0.000000e+00 : f32
        %broadcast_in_dim3A_809 = vector.broadcast %jit3A_808 : f32 to vector<16xf32>
        %select_n3A_810 = arith.select %lt3A_292, %broadcast_in_dim3A_809, %get3A_806 : vector<16xi1>, vector<16xf32>
        %select_n3A_811 = arith.select %eq3A_290, %mul3A_807, %select_n3A_810 : vector<16xi1>, vector<16xf32>
        %swap3A_812 = arith.index_cast %scan3A_802 : i32 to index
        %swap3A_813 = arith.index_cast %mul3A_25 : i32 to index
        %swap3A_814 = tpu.vector_load %arg8[%swap3A_812, %swap3A_813] {strides = array<i32>} : memref<34x1024xf32, #tpu.memory_space<vmem>>, vector<1x16xf32>,
        %swap3A_815 = vector.shape_cast %swap3A_814 : vector<1x16xf32> to vector<16xf32>
        %swap3A_816 = vector.shape_cast %select_n3A_811 : vector<16xf32> to vector<1x16xf32>
        tpu.vector_store %arg8[%swap3A_812, %swap3A_813], %swap3A_816 {strides = array<i32>} : memref<34x1024xf32, #tpu.memory_space<vmem>>, vector<1x16xf32>,
        %abs3A_817 = math.absf %select_n3A_811 : vector<16xf32>
        %add3A_818 = arith.addf %add3A_801, %abs3A_817 : vector<16xf32>
        %scan3A_819 = arith.constant 30 : i32
        %get3A_820 = arith.index_cast %scan3A_819 : i32 to index
        %get3A_821 = arith.index_cast %mul3A_25 : i32 to index
        %get3A_822 = tpu.vector_load %arg8[%get3A_820, %get3A_821] {strides = array<i32>} : memref<34x1024xf32, #tpu.memory_space<vmem>>, vector<1x16xf32>,
        %get3A_823 = vector.shape_cast %get3A_822 : vector<1x16xf32> to vector<16xf32>
        %mul3A_824 = arith.mulf %select_n3A_304, %get3A_823 : vector<16xf32>
        %jit3A_825 = arith.constant 0.000000e+00 : f32
        %broadcast_in_dim3A_826 = vector.broadcast %jit3A_825 : f32 to vector<16xf32>
        %select_n3A_827 = arith.select %lt3A_292, %broadcast_in_dim3A_826, %get3A_823 : vector<16xi1>, vector<16xf32>
        %select_n3A_828 = arith.select %eq3A_290, %mul3A_824, %select_n3A_827 : vector<16xi1>, vector<16xf32>
        %swap3A_829 = arith.index_cast %scan3A_819 : i32 to index
        %swap3A_830 = arith.index_cast %mul3A_25 : i32 to index
        %swap3A_831 = tpu.vector_load %arg8[%swap3A_829, %swap3A_830] {strides = array<i32>} : memref<34x1024xf32, #tpu.memory_space<vmem>>, vector<1x16xf32>,
        %swap3A_832 = vector.shape_cast %swap3A_831 : vector<1x16xf32> to vector<16xf32>
        %swap3A_833 = vector.shape_cast %select_n3A_828 : vector<16xf32> to vector<1x16xf32>
        tpu.vector_store %arg8[%swap3A_829, %swap3A_830], %swap3A_833 {strides = array<i32>} : memref<34x1024xf32, #tpu.memory_space<vmem>>, vector<1x16xf32>,
        %abs3A_834 = math.absf %select_n3A_828 : vector<16xf32>
        %add3A_835 = arith.addf %add3A_818, %abs3A_834 : vector<16xf32>
        %scan3A_836 = arith.constant 31 : i32
        %get3A_837 = arith.index_cast %scan3A_836 : i32 to index
        %get3A_838 = arith.index_cast %mul3A_25 : i32 to index
        %get3A_839 = tpu.vector_load %arg8[%get3A_837, %get3A_838] {strides = array<i32>} : memref<34x1024xf32, #tpu.memory_space<vmem>>, vector<1x16xf32>,
        %get3A_840 = vector.shape_cast %get3A_839 : vector<1x16xf32> to vector<16xf32>
        %mul3A_841 = arith.mulf %select_n3A_304, %get3A_840 : vector<16xf32>
        %jit3A_842 = arith.constant 0.000000e+00 : f32
        %broadcast_in_dim3A_843 = vector.broadcast %jit3A_842 : f32 to vector<16xf32>
        %select_n3A_844 = arith.select %lt3A_292, %broadcast_in_dim3A_843, %get3A_840 : vector<16xi1>, vector<16xf32>
        %select_n3A_845 = arith.select %eq3A_290, %mul3A_841, %select_n3A_844 : vector<16xi1>, vector<16xf32>
        %swap3A_846 = arith.index_cast %scan3A_836 : i32 to index
        %swap3A_847 = arith.index_cast %mul3A_25 : i32 to index
        %swap3A_848 = tpu.vector_load %arg8[%swap3A_846, %swap3A_847] {strides = array<i32>} : memref<34x1024xf32, #tpu.memory_space<vmem>>, vector<1x16xf32>,
        %swap3A_849 = vector.shape_cast %swap3A_848 : vector<1x16xf32> to vector<16xf32>
        %swap3A_850 = vector.shape_cast %select_n3A_845 : vector<16xf32> to vector<1x16xf32>
        tpu.vector_store %arg8[%swap3A_846, %swap3A_847], %swap3A_850 {strides = array<i32>} : memref<34x1024xf32, #tpu.memory_space<vmem>>, vector<1x16xf32>,
        %abs3A_851 = math.absf %select_n3A_845 : vector<16xf32>
        %add3A_852 = arith.addf %add3A_835, %abs3A_851 : vector<16xf32>
        %scan3A_853 = arith.constant 32 : i32
        %get3A_854 = arith.index_cast %scan3A_853 : i32 to index
        %get3A_855 = arith.index_cast %mul3A_25 : i32 to index
        %get3A_856 = tpu.vector_load %arg8[%get3A_854, %get3A_855] {strides = array<i32>} : memref<34x1024xf32, #tpu.memory_space<vmem>>, vector<1x16xf32>,
        %get3A_857 = vector.shape_cast %get3A_856 : vector<1x16xf32> to vector<16xf32>
        %mul3A_858 = arith.mulf %select_n3A_304, %get3A_857 : vector<16xf32>
        %jit3A_859 = arith.constant 0.000000e+00 : f32
        %broadcast_in_dim3A_860 = vector.broadcast %jit3A_859 : f32 to vector<16xf32>
        %select_n3A_861 = arith.select %lt3A_292, %broadcast_in_dim3A_860, %get3A_857 : vector<16xi1>, vector<16xf32>
        %select_n3A_862 = arith.select %eq3A_290, %mul3A_858, %select_n3A_861 : vector<16xi1>, vector<16xf32>
        %swap3A_863 = arith.index_cast %scan3A_853 : i32 to index
        %swap3A_864 = arith.index_cast %mul3A_25 : i32 to index
        %swap3A_865 = tpu.vector_load %arg8[%swap3A_863, %swap3A_864] {strides = array<i32>} : memref<34x1024xf32, #tpu.memory_space<vmem>>, vector<1x16xf32>,
        %swap3A_866 = vector.shape_cast %swap3A_865 : vector<1x16xf32> to vector<16xf32>
        %swap3A_867 = vector.shape_cast %select_n3A_862 : vector<16xf32> to vector<1x16xf32>
        tpu.vector_store %arg8[%swap3A_863, %swap3A_864], %swap3A_867 {strides = array<i32>} : memref<34x1024xf32, #tpu.memory_space<vmem>>, vector<1x16xf32>,
        %abs3A_868 = math.absf %select_n3A_862 : vector<16xf32>
        %add3A_869 = arith.addf %add3A_852, %abs3A_868 : vector<16xf32>
        %scan3A_870 = arith.constant 32 : i32
        %get3A_871 = arith.constant 33 : i32
        %get3A_872 = arith.index_cast %get3A_871 : i32 to index
        %get3A_873 = arith.index_cast %mul3A_25 : i32 to index
        %get3A_874 = tpu.vector_load %arg8[%get3A_872, %get3A_873] {strides = array<i32>} : memref<34x1024xf32, #tpu.memory_space<vmem>>, vector<1x16xf32>,
        %get3A_875 = vector.shape_cast %get3A_874 : vector<1x16xf32> to vector<16xf32>
        %abs3A_876 = math.absf %select_n3A_304 : vector<16xf32>
        %mul3A_877 = arith.mulf %abs3A_876, %get3A_875 : vector<16xf32>
        %add3A_878 = arith.addf %abs3A_312, %mul3A_877 : vector<16xf32>
        %jit3A_879 = arith.constant 0.000000e+00 : f32
        %broadcast_in_dim3A_880 = vector.broadcast %jit3A_879 : f32 to vector<16xf32>
        %select_n3A_881 = arith.select %lt3A_292, %broadcast_in_dim3A_880, %get3A_875 : vector<16xi1>, vector<16xf32>
        %select_n3A_882 = arith.select %eq3A_290, %add3A_878, %select_n3A_881 : vector<16xi1>, vector<16xf32>
        %swap3A_883 = arith.constant 33 : i32
        %swap3A_884 = arith.index_cast %swap3A_883 : i32 to index
        %swap3A_885 = arith.index_cast %mul3A_25 : i32 to index
        %swap3A_886 = tpu.vector_load %arg8[%swap3A_884, %swap3A_885] {strides = array<i32>} : memref<34x1024xf32, #tpu.memory_space<vmem>>, vector<1x16xf32>,
        %swap3A_887 = vector.shape_cast %swap3A_886 : vector<1x16xf32> to vector<16xf32>
        %swap3A_888 = vector.shape_cast %select_n3A_882 : vector<16xf32> to vector<1x16xf32>
        tpu.vector_store %arg8[%swap3A_884, %swap3A_885], %swap3A_888 {strides = array<i32>} : memref<34x1024xf32, #tpu.memory_space<vmem>>, vector<1x16xf32>,
        %abs3A_889 = math.absf %select_n3A_882 : vector<16xf32>
        %add3A_890 = arith.addf %add3A_869, %abs3A_889 : vector<16xf32>
        %sub3A_891 = arith.subf %select_n3A_318, %add3A_890 : vector<16xf32>
        %swap3A_892 = arith.index_cast %mul3A_25 : i32 to index
        %swap3A_893 = tpu.vector_load %arg10[%swap3A_892] {strides = array<i32>} : memref<1024xf32, #tpu.memory_space<vmem>>, vector<16xf32>,
        %swap3A_894 = vector.shape_cast %swap3A_893 : vector<16xf32> to vector<16xf32>
        %swap3A_895 = vector.shape_cast %sub3A_891 : vector<16xf32> to vector<16xf32>
        tpu.vector_store %arg10[%swap3A_892], %swap3A_895 {strides = array<i32>} : memref<1024xf32, #tpu.memory_space<vmem>>, vector<16xf32>,
        %add3A_896 = arith.addf %select_n3A_318, %add3A_890 : vector<16xf32>
        %swap3A_897 = arith.index_cast %mul3A_25 : i32 to index
        %swap3A_898 = tpu.vector_load %arg11[%swap3A_897] {strides = array<i32>} : memref<1024xf32, #tpu.memory_space<vmem>>, vector<16xf32>,
        %swap3A_899 = vector.shape_cast %swap3A_898 : vector<16xf32> to vector<16xf32>
        %swap3A_900 = vector.shape_cast %add3A_896 : vector<16xf32> to vector<16xf32>
        tpu.vector_store %arg11[%swap3A_897], %swap3A_900 {strides = array<i32>} : memref<1024xf32, #tpu.memory_space<vmem>>, vector<16xf32>,
        %get3A_901 = arith.index_cast %mul3A_25 : i32 to index
        %get3A_902 = tpu.vector_load %arg9[%get3A_901] {strides = array<i32>} : memref<1024xf32, #tpu.memory_space<vmem>>, vector<16xf32>,
        %get3A_903 = vector.shape_cast %get3A_902 : vector<16xf32> to vector<16xf32>
        %max3A = arith.constant 0.000000e+00 : f32
        %max3A_904 = vector.broadcast %max3A : f32 to vector<16xf32>
        %max3A_905 = arith.maximumf %get3A_903, %max3A_904 : vector<16xf32>
        %swap3A_906 = arith.index_cast %mul3A_25 : i32 to index
        %swap3A_907 = tpu.vector_load %arg12[%swap3A_906] {strides = array<i32>} : memref<1024xf32, #tpu.memory_space<vmem>>, vector<16xf32>,
        %swap3A_908 = vector.shape_cast %swap3A_907 : vector<16xf32> to vector<16xf32>
        %swap3A_909 = vector.shape_cast %max3A_905 : vector<16xf32> to vector<16xf32>
        tpu.vector_store %arg12[%swap3A_906], %swap3A_909 {strides = array<i32>} : memref<1024xf32, #tpu.memory_space<vmem>>, vector<16xf32>,
        %scan3A_910 = arith.constant 0 : i32
        scf.yield %scan3A_910 : i32
      }
      %scan3A_20 = arith.constant 64 : i32
      "tpu.region"() ({
        %run_scoped3A = tpu.sem_alloc : memref<!tpu.dma_semaphore, #tpu.memory_space<semaphore_mem>>
        %dma_start3A = arith.constant 0 : i32
        %dma_start3A_22 = tpu.memref_slice %arg4[%dma_start3A, %add3A_13] : memref<34x2097152xf32, #tpu.memory_space<hbm>> -> memref<34x1024xf32, #tpu.memory_space<hbm>>
        %dma_start3A_23 = arith.constant 0 : i32
        %dma_start3A_24 = tpu.memref_slice %arg4[%dma_start3A_23, %add3A_13] : memref<34x2097152xf32, #tpu.memory_space<hbm>> -> memref<34x1024xf32, #tpu.memory_space<hbm>>
        tpu.enqueue_dma source(%arg8 : memref<34x1024xf32, #tpu.memory_space<vmem>>) target(%dma_start3A_24 : memref<34x1024xf32, #tpu.memory_space<hbm>>) target_semaphore(%run_scoped3A : memref<!tpu.dma_semaphore, #tpu.memory_space<semaphore_mem>>)
        %dma_wait3A = arith.constant 0 : i32
        %dma_wait3A_25 = tpu.memref_slice %arg4[%dma_wait3A, %add3A_13] : memref<34x2097152xf32, #tpu.memory_space<hbm>> -> memref<34x1024xf32, #tpu.memory_space<hbm>>
        %dma_wait3A_26 = arith.constant 0 : i32
        %dma_wait3A_27 = tpu.memref_slice %arg4[%dma_wait3A_26, %add3A_13] : memref<34x2097152xf32, #tpu.memory_space<hbm>> -> memref<34x1024xf32, #tpu.memory_space<hbm>>
        tpu.wait_dma2 semaphore(%run_scoped3A : memref<!tpu.dma_semaphore, #tpu.memory_space<semaphore_mem>>) src(%arg8 : memref<34x1024xf32, #tpu.memory_space<vmem>>) dst(%dma_wait3A_27 : memref<34x1024xf32, #tpu.memory_space<hbm>>)
        tpu.yield
      }) : () -> ()
      "tpu.region"() ({
        %run_scoped3A = tpu.sem_alloc : memref<!tpu.dma_semaphore, #tpu.memory_space<semaphore_mem>>
        %dma_start3A = tpu.memref_slice %arg5[%add3A_13] : memref<2097152xf32, #tpu.memory_space<hbm>> -> memref<1024xf32, #tpu.memory_space<hbm>>
        %dma_start3A_22 = tpu.memref_slice %arg5[%add3A_13] : memref<2097152xf32, #tpu.memory_space<hbm>> -> memref<1024xf32, #tpu.memory_space<hbm>>
        tpu.enqueue_dma source(%arg10 : memref<1024xf32, #tpu.memory_space<vmem>>) target(%dma_start3A_22 : memref<1024xf32, #tpu.memory_space<hbm>>) target_semaphore(%run_scoped3A : memref<!tpu.dma_semaphore, #tpu.memory_space<semaphore_mem>>)
        %dma_wait3A = tpu.memref_slice %arg5[%add3A_13] : memref<2097152xf32, #tpu.memory_space<hbm>> -> memref<1024xf32, #tpu.memory_space<hbm>>
        %dma_wait3A_23 = tpu.memref_slice %arg5[%add3A_13] : memref<2097152xf32, #tpu.memory_space<hbm>> -> memref<1024xf32, #tpu.memory_space<hbm>>
        tpu.wait_dma2 semaphore(%run_scoped3A : memref<!tpu.dma_semaphore, #tpu.memory_space<semaphore_mem>>) src(%arg10 : memref<1024xf32, #tpu.memory_space<vmem>>) dst(%dma_wait3A_23 : memref<1024xf32, #tpu.memory_space<hbm>>)
        tpu.yield
      }) : () -> ()
      "tpu.region"() ({
        %run_scoped3A = tpu.sem_alloc : memref<!tpu.dma_semaphore, #tpu.memory_space<semaphore_mem>>
        %dma_start3A = tpu.memref_slice %arg6[%add3A_13] : memref<2097152xf32, #tpu.memory_space<hbm>> -> memref<1024xf32, #tpu.memory_space<hbm>>
        %dma_start3A_22 = tpu.memref_slice %arg6[%add3A_13] : memref<2097152xf32, #tpu.memory_space<hbm>> -> memref<1024xf32, #tpu.memory_space<hbm>>
        tpu.enqueue_dma source(%arg11 : memref<1024xf32, #tpu.memory_space<vmem>>) target(%dma_start3A_22 : memref<1024xf32, #tpu.memory_space<hbm>>) target_semaphore(%run_scoped3A : memref<!tpu.dma_semaphore, #tpu.memory_space<semaphore_mem>>)
        %dma_wait3A = tpu.memref_slice %arg6[%add3A_13] : memref<2097152xf32, #tpu.memory_space<hbm>> -> memref<1024xf32, #tpu.memory_space<hbm>>
        %dma_wait3A_23 = tpu.memref_slice %arg6[%add3A_13] : memref<2097152xf32, #tpu.memory_space<hbm>> -> memref<1024xf32, #tpu.memory_space<hbm>>
        tpu.wait_dma2 semaphore(%run_scoped3A : memref<!tpu.dma_semaphore, #tpu.memory_space<semaphore_mem>>) src(%arg11 : memref<1024xf32, #tpu.memory_space<vmem>>) dst(%dma_wait3A_23 : memref<1024xf32, #tpu.memory_space<hbm>>)
        tpu.yield
      }) : () -> ()
      "tpu.region"() ({
        %run_scoped3A = tpu.sem_alloc : memref<!tpu.dma_semaphore, #tpu.memory_space<semaphore_mem>>
        %dma_start3A = tpu.memref_slice %arg7[%add3A_13] : memref<2097152xf32, #tpu.memory_space<hbm>> -> memref<1024xf32, #tpu.memory_space<hbm>>
        %dma_start3A_22 = tpu.memref_slice %arg7[%add3A_13] : memref<2097152xf32, #tpu.memory_space<hbm>> -> memref<1024xf32, #tpu.memory_space<hbm>>
        tpu.enqueue_dma source(%arg12 : memref<1024xf32, #tpu.memory_space<vmem>>) target(%dma_start3A_22 : memref<1024xf32, #tpu.memory_space<hbm>>) target_semaphore(%run_scoped3A : memref<!tpu.dma_semaphore, #tpu.memory_space<semaphore_mem>>)
        %dma_wait3A = tpu.memref_slice %arg7[%add3A_13] : memref<2097152xf32, #tpu.memory_space<hbm>> -> memref<1024xf32, #tpu.memory_space<hbm>>
        %dma_wait3A_23 = tpu.memref_slice %arg7[%add3A_13] : memref<2097152xf32, #tpu.memory_space<hbm>> -> memref<1024xf32, #tpu.memory_space<hbm>>
        tpu.wait_dma2 semaphore(%run_scoped3A : memref<!tpu.dma_semaphore, #tpu.memory_space<semaphore_mem>>) src(%arg12 : memref<1024xf32, #tpu.memory_space<vmem>>) dst(%dma_wait3A_23 : memref<1024xf32, #tpu.memory_space<hbm>>)
        tpu.yield
      }) : () -> ()
      %scan3A_21 = arith.constant 0 : i32
      scf.yield %scan3A_21 : i32
    }
    %scan3A_8 = arith.constant 64 : i32
    return
  }
}

</mosaic_0001>

<sc_bundles>
// kernel: _run.3.cloned.1.call-start
scs
__scs_entry_jumppad:
0x0: {  	(pc) =	sbr.rel $0x88, $3  }
0x1: {  	(tag) =	ssettag $0x0;
	lr =	simm.s32 $0x1  }
0x2: {  	[smem:$0x3F9F] =	sst lr;
	_ =	strace $0xD0000000  }
0x3: {  	_ = 	snop  }
0x4: {  	_ = 	snop  }
0x5: {  	_ = 	snop  }
0x6: {  	_ = 	snop  }
0x7: {  	_ = 	snop  }
__scs_overlays_trampoline_lowered:
0x8: {  	[smem:$0x3FAE] =	sst s0  }
0x9: {  	[smem:$0x3FAF] =	sst s1  }
0xa: {  	[smem:$0x3FB0] =	sst s2  }
0xb: {  	[smem:$0x3FB1] =	sst s3  }
0xc: {  	[smem:$0x3FB2] =	sst s4  }
0xd: {  	[smem:$0x3FB3] =	sst s5  }
0xe: {  	[smem:$0x3FB4] =	sst s6  }
0xf: {  	[smem:$0x3FB5] =	sst s7  }
0x10: {  	[smem:$0x3FB6] =	sst s8  }
0x11: {  	[smem:$0x3FB7] =	sst s9;
	s0 =	simm.s32 @!p0 $0x0  }
0x12: {  	s1 =	sld [smem:$0x3F9D];
	s0 =	simm.s32 @p0 $0x1  }
0x13: {  	[smem:$0x3FB8] =	sst s0;
	s0 =	simm.s32 @!p1 $0x0  }
0x14: {  	s2 =	sld [smem:$0x3F9C];
	s0 =	simm.s32 @p1 $0x1  }
0x15: {  	[smem:$0x3FB9] =	sst s0;
	s0 =	simm.s32 @!p2 $0x0  }
0x16: {  	s3 =	sld [smem:$0x3FDB];
	s0 =	simm.s32 @p2 $0x1  }
0x17: {  	s4 =	simm.s32 $0x1BF5;
	[smem:$0x3FBB] =	sst s0  }
0x18: {  	s0 =	sld [smem:$0x3F9E];
	_ =	swait.ge [sflag:s4], $0x0  }
0x19: {  	s7 =	sld [smem:$0x3F9F]  }
0x1a: {  	s8 =	sadd.s32 $0xFFFFE003, lr  }
0x1b: {  	s9 =	sadd.s32 $0xFFFFFEF7, lr;
	s5 =	simm.s32 $0xFFFFFFFF;
	p2 =	slt.u32 s8, $0xFFFFF086  }
0x1c: {  	p1 =	slt.u32 s9, $0xF7A;
	s5 =	simm.s32 @!p2 $0x0  }
0x1d: {  	s5 =	simm.s32 @p1 $0x1;
	p0 =	seq.s32 s7, s2  }
0x1e: {  	s7 =	smul.u32 @!p0 $0xF7A, s2;
	p2 =	seq.s32 @!p0 s5, $0x0  }
0x1f: {  	s9 =	smul.u32 $0xF7A, s1;
	s8 =	simm.s32 @!p0 $0x1BF5;
	p2 =	por !p2, p0  }
0x20: {  	[sflag:s8] =	ssyncset.s32 @!p0 $0xFFFFF086;
	s6 =	sadd.s32 @!p0 s3, s7;
	s7 =	simm.s32 @!p0 $0x108  }
0x21: {  	s3 =	sadd.s32 s3, s9;
	s6 =	sadd.s32 @!p0 $0x88, s6;
	s7 =	simm.s32 @p2 $0x1082  }
0x22: {  	[simem:s7], [sflag:s8] =	dma.local @!p0 [hbm:s6], $0xF7A  }
0x23: {  	s9 =	sor.u32 $0xD0000000, s2;
	s6 =	simm.s32 $0x108;
	_ =	swait.ge @!p0 [sflag:s8], $0x0  }
0x24: {  	s3 =	sadd.s32 $0x88, s3;
	s6 =	simm.s32 @!p1 $0x1082;
	[sflag:s4] =	ssyncset.s32 $0xFFFFF086  }
0x25: {  	[simem:s6], [sflag:s4] =	dma.local [hbm:s3], $0xF7A  }
0x26: {  	[smem:$0x3F9F] =	sst s1;
	(tag) =	ssettag s2;
	_ =	strace s9  }
0x27: {  	s1 =	sld [smem:$0x3FAF]  }
0x28: {  	s2 =	sld [smem:$0x3FB0]  }
0x29: {  	s4 =	sld [smem:$0x3FB2]  }
0x2a: {  	p0 =	seq.s32 s5, $0x0;
	s5 =	sld [smem:$0x3FB3]  }
0x2b: {  	s6 =	sld [smem:$0x3FB4]  }
0x2c: {  	s7 =	sld [smem:$0x3FB5]  }
0x2d: {  	s3 =	simm.s32 $0x108;
	s8 =	sld [smem:$0x3FB6]  }
0x2e: {  	s3 =	simm.s32 @!p0 $0x1082;
	s9 =	sld [smem:$0x3FB7]  }
0x2f: {  	lr =	sadd.s32 s0, s3;
	s0 =	sld [smem:$0x3FAE]  }
0x30: {  	s3 =	sld [smem:$0x3FB1]  }
0x31: {  	[smem:$0x3FBA] =	sst s10  }
0x32: {  	s10 =	sld [smem:$0x3FB8];
	_ =	sdelay $0x3  }
0x33: {  	p0 =	seq.s32 s10, $0x1;
	s10 =	sld [smem:$0x3FBA];
	_ =	sdelay $0x3  }
0x34: {  	[smem:$0x3FBA] =	sst s10  }
0x35: {  	s10 =	sld [smem:$0x3FB9];
	_ =	sdelay $0x3  }
0x36: {  	p1 =	seq.s32 s10, $0x1;
	s10 =	sld [smem:$0x3FBA];
	_ =	sdelay $0x3  }
0x37: {  	[smem:$0x3FBA] =	sst s10  }
0x38: {  	s10 =	sld [smem:$0x3FBB]  }
0x39: {  	_ = 	snop;
	(pc) =	sbr.ind lr, $3  }
0x3a: {  	_ = 	snop  }
0x3b: {  	_ = 	snop  }
0x3c: {  	p2 =	seq.s32 s10, $0x1;
	s10 =	sld [smem:$0x3FBA]  }
0x3d: {  	_ =	shalt  }
0x3e: {  	_ =	shalt  }
0x3f: {  	_ =	shalt  }
0x40: {  	_ =	shalt  }
0x41: {  	_ =	shalt  }
0x42: {  	_ =	shalt  }
0x43: {  	_ =	shalt  }
0x44: {  	_ =	shalt  }
0x45: {  	_ =	shalt  }
0x46: {  	_ =	shalt  }
0x47: {  	_ =	shalt  }
0x48: {  	_ =	shalt  }
0x49: {  	_ =	shalt  }
0x4a: {  	_ =	shalt  }
0x4b: {  	_ =	shalt  }
0x4c: {  	_ =	shalt  }
0x4d: {  	_ =	shalt  }
0x4e: {  	_ =	shalt  }
0x4f: {  	_ =	shalt  }
0x50: {  	_ =	shalt  }
0x51: {  	_ =	shalt  }
0x52: {  	_ =	shalt  }
0x53: {  	_ =	shalt  }
0x54: {  	_ =	shalt  }
0x55: {  	_ =	shalt  }
0x56: {  	_ =	shalt  }
0x57: {  	_ =	shalt  }
0x58: {  	_ =	shalt  }
0x59: {  	_ =	shalt  }
0x5a: {  	_ =	shalt  }
0x5b: {  	_ =	shalt  }
0x5c: {  	_ =	shalt  }
0x5d: {  	_ =	shalt  }
0x5e: {  	_ =	shalt  }
0x5f: {  	_ =	shalt  }
0x60: {  	_ =	shalt  }
0x61: {  	_ =	shalt  }
0x62: {  	_ =	shalt  }
0x63: {  	_ =	shalt  }
0x64: {  	_ =	shalt  }
0x65: {  	_ =	shalt  }
0x66: {  	_ =	shalt  }
0x67: {  	_ =	shalt  }
0x68: {  	_ =	shalt  }
0x69: {  	_ =	shalt  }
0x6a: {  	_ =	shalt  }
0x6b: {  	_ =	shalt  }
0x6c: {  	_ =	shalt  }
0x6d: {  	_ =	shalt  }
0x6e: {  	_ =	shalt  }
0x6f: {  	_ =	shalt  }
0x70: {  	_ =	shalt  }
0x71: {  	_ =	shalt  }
0x72: {  	_ =	shalt  }
0x73: {  	_ =	shalt  }
0x74: {  	_ =	shalt  }
0x75: {  	_ =	shalt  }
0x76: {  	_ =	shalt  }
0x77: {  	_ =	shalt  }
0x78: {  	_ =	shalt  }
0x79: {  	_ =	shalt  }
0x7a: {  	_ =	shalt  }
0x7b: {  	_ =	shalt  }
0x7c: {  	_ =	shalt  }
0x7d: {  	_ =	shalt  }
0x7e: {  	_ =	shalt  }
0x7f: {  	_ =	shalt  }
0x80: {  	_ =	shalt  }
0x81: {  	_ =	shalt  }
0x82: {  	_ =	shalt  }
0x83: {  	_ =	shalt  }
0x84: {  	_ =	shalt  }
0x85: {  	_ =	shalt  }
0x86: {  	_ =	shalt  }
0x87: {  	_ =	shalt  }
.Lfunc_end0:
.L_simem_size_0:
called_computation_lowered:
.L_overlay_start_0:
0x88: {  	s2 =	sld [smem:$0x3FD9]  }
0x89: {  	s3 =	sld [smem:$0x3FFE];
	_ =	sdelay $0x1  }
0x8a: {  	s1 =	srdreg.scid  }
0x8b: {  	s0 =	sand.u32 $0x1, s1  }
0x8c: {  	s15 =	sshll.u32 s0, $0xA;
	s2 =	sadd.s32 s3, s2  }
0x8d: {  	s2 =	sadd.s32 s2, s15  }
0x8e: {  	[smem:$0x3FC6] =	sst s2  }
0x8f: {  	_ = 	snop  }
0x90: {  	s2 =	sld [smem:$0x3FD0];
	_ =	sdelay $0x1  }
0x91: {  	s16 =	sld [smem:$0x3FC9]  }
0x92: {  	s5 =	simm.s32 $0xA;
	s6 =	simm.s32 $0x10;
	s4 =	sld [smem:$0x3FC8]  }
0x93: {  	[smem:s6], [sflag:s5] =	dma.local [hbm:s2], $0x1  }
0x94: {  	_ =	swait.eq [sflag:s5], $0x1  }
0x95: {  	s17 =	sld [smem:$0x10]  }
0x96: {  	s18 =	sld [smem:$0x11];
	[sflag:s5] =	ssyncset.done $0x0  }
0x97: {  	s7 =	sld [smem:$0x12];
	[sflag:s5] =	ssyncadd.s32 $0xFFFFFFFF  }
0x98: {  	s19 =	sld [smem:$0x13];
	(tm) =	ssettm $0x1  }
0x99: {  	s8 =	sld [smem:$0x3FFB];
	_ =	sdelay $0x3  }
0x9a: {  	_ =	strace s8  }
0x9b: {  	s8 =	sld [smem:$0x3FFC];
	_ =	sdelay $0x3  }
0x9c: {  	_ =	strace s8  }
0x9d: {  	s8 =	sld [smem:$0x3FFD];
	_ =	sdelay $0x3  }
0x9e: {  	_ =	strace s8  }
0x9f: {  	_ =	strace $0x8FFFFFFF  }
0xa0: {  	s20 =	sld [smem:$0x3FDB];
	_ =	sdelay $0x1  }
0xa1: {  	s9 =	simm.s32 $_scs_section_size  }
0xa2: {  	s10 =	simm.s32 $_size__tile_overlayer_lowered;
	s11 =	simm.s32 $_tile_overlayer_lowered  }
0xa3: {  	s23 =	simm.s32 $0x1BFF;
	s22 =	sshll.u32 s11, $0x1;
	s8 =	sadd.s32 s9, s20  }
0xa4: {  	s12 =	simm.s32 $0x0;
	s21 =	sshll.u32 s10, $0x1;
	s10 =	sadd.s32 s22, s8  }
0xa5: {  	[timem:s12], [sflag:s23] =	dma.local [hbm:s10], s21  }
0xa6: {  	_ =	swait.ge [sflag:s23], s21  }
0xa7: {  	s9 =	ssub.s32 $0x0, s21;
	[sflag:s23] =	ssyncset.done $0x0  }
0xa8: {  	[sflag:s23] =	ssyncadd.s32 s9;
	_ =	sdelay $0x1  }
0xa9: {  	s24 =	simm.s32 $0x1B8B  }
0xaa: {  	_ =	swait.ge [sflag:s24], $0x1  }
0xab: {  	[sflag:s24] =	ssyncset.done $0x0  }
0xac: {  	s25 =	simm.s32 $0x1B8E;
	[sflag:s24] =	ssyncadd.s32 $0xFFFFFFFF  }
0xad: {  	s26 =	simm.s32 $execute0_lowered;
	[smem:$0x3FD2] =	sst s25  }
0xae: {  	s9 =	sshll.u32 s26, $0x1;
	_ =	strace $0x80000046;
	[dreg:$0x1] =	wrdreg $0xFFFFFFFF  }
0xaf: {  	s28 =	simm.s32 $_size_execute0_lowered;
	s8 =	sadd.s32 s8, s9;
	[dreg:$0x0] =	wrdreg $0x0  }
0xb0: {  	s9 =	sshll.u32 s28, $0x1;
	[dreg:$0x2] =	wrdreg s8  }
0xb1: {  	[dreg:$0x3] =	wrdreg s9  }
0xb2: {  	[dreg:$0x4] =	wrdreg $0xC0  }
0xb3: {  	_ =	task [dreg:s12], $0x5FFFF  }
0xb4: {  	[dreg:$0x1] =	wrdreg $0xFFFFFFFF  }
0xb5: {  	[dreg:$0x0] =	wrdreg $0x60  }
0xb6: {  	[dreg:$0x2] =	wrdreg s16  }
0xb7: {  	[dreg:$0x3] =	wrdreg s4  }
0xb8: {  	[dreg:$0x4] =	wrdreg s17  }
0xb9: {  	[dreg:$0x5] =	wrdreg s18  }
0xba: {  	[dreg:$0x6] =	wrdreg s7  }
0xbb: {  	[dreg:$0x7] =	wrdreg s19  }
0xbc: {  	[dreg:$0x8] =	wrdreg $0x9  }
0xbd: {  	_ =	task.clear_ibuf [dreg:s12], $0x9FFFF;
	_ =	strace $0x90000046  }
0xbe: {  	s29 =	simm.s32 $0x9;
	_ =	strace $0x80000048  }
0xbf: {  	_ =	swait.ge [sflag:s29], $0x1  }
0xc0: {  	[sflag:s29] =	ssyncadd.s32 $0xFFFFFFFF  }
0xc1: {  	_ =	strace $0x90000048  }
0xc2: {  	_ =	sfence  }
0xc3: {  	s30 =	sld [smem:$0x0];
	_ =	sdelay $0x2  }
0xc4: {  	s31 =	sshll.u32 s1, $0xD;
	s1 =	sshrl.u32 s1, $0x2  }
0xc5: {  	s3 =	sand.u32 $0x4000, s31;
	s1 =	sadd.s32 s1, s30  }
0xc6: {  	s0 =	sor.u32 s3, s0;
	s1 =	sshll.u32 s1, $0x11  }
0xc7: {  	s0 =	sor.u32 s1, s0  }
0xc8: {  	s0 =	sadd.s32 $0x8F2B, s0  }
0xc9: {  	[sflag:s0] =	ssyncadd.remote.s32 $0x1  }
0xca: {  	_ =	sfence.sel $0xFFFF  }
0xcb: {  	[dreg:$0x0] =	wrdreg $0xFFFFFFFF;
	(pc) =	sbr.abs _section_cstart, $3  }
0xcc: {  	[dreg:$0x1] =	wrdreg $0xFFFFFFFF  }
0xcd: {  	_ =	task.clear_ibuf [dreg:s12], $0x2FFFF;
	_ =	strace $0x9FFFFFFF  }
0xce: {  	(tm) =	ssettm $0x7FFFFFFF  }
0xcf: {  	_ =	shalt  }
tec
execute0_lowered:
.L_overlay_start_1:
0x0: {  	(tag) =	ssettag $0x1  }
0x1: {  	s0 =	rddreg [dreg:$0x0]  }
0x2: {  	s2 =	rddreg [dreg:$0x1]  }
0x3: {  	s3 =	rddreg [dreg:$0x2]  }
0x4: {  	s4 =	rddreg [dreg:$0x3]  }
0x5: {  	s5 =	rddreg [dreg:$0x4]  }
0x6: {  	s6 =	rddreg [dreg:$0x5]  }
0x7: {  	s8 =	srdreg.scid;
	s1 =	rddreg [dreg:$0x6];
	s7 =	simm.s32 $0x0  }
0x8: {  	s12 =	simm.s32 $0x1000000;
	s13 =	simm.s32 $0x1;
	s14 =	simm.s32 $0xA400  }
0x9: {  	s15 =	simm.s32 $0xA800;
	s16 =	simm.s32 $0xAC00;
	s9 =	sand.u32 $0x1, s8  }
0xa: {  	s17 =	simm.s32 $0x0;
	[smem:$0x7FF] =	sst s7;
	s10 =	ssub.s32 $0x2, s9  }
0xb: {  	v0 =	vimm.f32 $1.000000000e+00;
	s8 =	stileid.u32;
	_ =	strace $0x80000047;
	s11 =	sshrl.u32 s10, $0x1  }
0xc: {  	v40 =	vand.u32 $0x7FFFFFFF, v0;
	s31 =	sshll.u32 s8, $0x11;
	s9 =	sshll.u32 s9, $0x10;
	s10 =	ssub.s32 s10, s11  }
0xd: {  	[tilespmem:$0x1FFF0] =	vst v40;
	s9 =	sor.u32 s9, s31;
	s11 =	simm.s32 $0x2000;
	s10 =	smax.u32 s10, $0x1  }
.LBB2_1:
0xe: {  	s18 =	simm.s32 $0x0  }
.LBB2_2:
0xf: {  	s19 =	sshll.u32 s18, $0xA  }
0x10: {  	s20 =	sadd.s32 s9, s19  }
0x11: {  	s21 =	simm.s32 $0x0;
	s19 =	sadd.s32 s0, s20  }
0x12: {  	[tilespmem:s21], [sflag:$0x1] =	stream.strided.gather [hbm4b:s19+s11], $0xA000, s12, s11, $0x38;
	[tilespmem:$0xB000] =	vst v63  }
0x13: {  	_ =	swait.ge [sflag:s13], $0xA000  }
0x14: {  	s19 =	sshrl.u32 s20, $0x3;
	[sflag:s13] =	ssyncset.done $0x0  }
0x15: {  	s26 =	simm.s32 $0xA000;
	s22 =	sadd.s32 s2, s19;
	[sflag:s13] =	ssyncadd.s32 $0xFFFF6000  }
0x16: {  	[tilespmem:s26], [sflag:$0x1] =	stream.linear.gather [hbm4b:s22+s21], $0x400, $0x38;
	[tilespmem:$0xB000] =	vst v63  }
0x17: {  	_ =	swait.ge [sflag:s13], $0x400  }
0x18: {  	s31 =	sand.u32 $0x70, s21;
	s23 =	sand.u32 $0x1C00, s21;
	[sflag:s13] =	ssyncset.done $0x0  }
0x19: {  	s22 =	sor.u32 s31, s23;
	[sflag:s13] =	ssyncadd.s32 $0xFFFFFC00  }
0x1a: {  	v35 =	vld [tilespmem:s22+$0x100]  }
0x1b: {  	v36 =	vld [tilespmem:s22+$0x80];
	_ =	sdelay $0x1  }
0x1c: {  	v34 =	vld [tilespmem:s22+$0x180];
	_ =	sdelay $0x1  }
0x1d: {  	v33 =	vld [tilespmem:s22+$0x200]  }
0x1e: {  	v1 =	vand.u32 $0x7FFFFFFF, v35;
	v2 =	vand.u32 $0x7FFFFFFF, v36  }
0x1f: {  	v32 =	vld [tilespmem:s22+$0x280];
	v1 =	vadd.f32 v1, v2  }
0x20: {  	v2 =	vand.u32 $0x7FFFFFFF, v34  }
0x21: {  	v31 =	vld [tilespmem:s22+$0x300];
	v1 =	vadd.f32 v2, v1  }
0x22: {  	v2 =	vand.u32 $0x7FFFFFFF, v33  }
0x23: {  	v30 =	vld [tilespmem:s22+$0x380];
	v1 =	vadd.f32 v2, v1  }
0x24: {  	v2 =	vand.u32 $0x7FFFFFFF, v32  }
0x25: {  	v29 =	vld [tilespmem:s22+$0x2000];
	v1 =	vadd.f32 v2, v1  }
0x26: {  	v2 =	vand.u32 $0x7FFFFFFF, v31  }
0x27: {  	v28 =	vld [tilespmem:s22+$0x2080];
	v1 =	vadd.f32 v2, v1  }
0x28: {  	v2 =	vand.u32 $0x7FFFFFFF, v30  }
0x29: {  	v27 =	vld [tilespmem:s22+$0x2100];
	v1 =	vadd.f32 v2, v1  }
0x2a: {  	v2 =	vand.u32 $0x7FFFFFFF, v29  }
0x2b: {  	v26 =	vld [tilespmem:s22+$0x2180];
	v1 =	vadd.f32 v2, v1  }
0x2c: {  	v2 =	vand.u32 $0x7FFFFFFF, v28  }
0x2d: {  	v25 =	vld [tilespmem:s22+$0x2200];
	v1 =	vadd.f32 v2, v1  }
0x2e: {  	v2 =	vand.u32 $0x7FFFFFFF, v27  }
0x2f: {  	v24 =	vld [tilespmem:s22+$0x2280];
	v1 =	vadd.f32 v2, v1  }
0x30: {  	v2 =	vand.u32 $0x7FFFFFFF, v26  }
0x31: {  	v23 =	vld [tilespmem:s22+$0x2300];
	v1 =	vadd.f32 v2, v1  }
0x32: {  	v2 =	vand.u32 $0x7FFFFFFF, v25  }
0x33: {  	v22 =	vld [tilespmem:s22+$0x2380];
	v1 =	vadd.f32 v2, v1  }
0x34: {  	v2 =	vand.u32 $0x7FFFFFFF, v24  }
0x35: {  	v21 =	vld [tilespmem:s22+$0x4000];
	v1 =	vadd.f32 v2, v1  }
0x36: {  	v2 =	vand.u32 $0x7FFFFFFF, v23  }
0x37: {  	v20 =	vld [tilespmem:s22+$0x4080];
	v1 =	vadd.f32 v2, v1  }
0x38: {  	v2 =	vand.u32 $0x7FFFFFFF, v22  }
0x39: {  	v19 =	vld [tilespmem:s22+$0x4100];
	v1 =	vadd.f32 v2, v1  }
0x3a: {  	v2 =	vand.u32 $0x7FFFFFFF, v21  }
0x3b: {  	v18 =	vld [tilespmem:s22+$0x4180];
	v1 =	vadd.f32 v2, v1  }
0x3c: {  	v2 =	vand.u32 $0x7FFFFFFF, v20  }
0x3d: {  	v17 =	vld [tilespmem:s22+$0x4200];
	v1 =	vadd.f32 v2, v1  }
0x3e: {  	v2 =	vand.u32 $0x7FFFFFFF, v19  }
0x3f: {  	v16 =	vld [tilespmem:s22+$0x4280];
	v1 =	vadd.f32 v2, v1  }
0x40: {  	v2 =	vand.u32 $0x7FFFFFFF, v18  }
0x41: {  	v15 =	vld [tilespmem:s22+$0x4300];
	v1 =	vadd.f32 v2, v1  }
0x42: {  	v2 =	vand.u32 $0x7FFFFFFF, v17  }
0x43: {  	v14 =	vld [tilespmem:s22+$0x4380];
	v1 =	vadd.f32 v2, v1  }
0x44: {  	v2 =	vand.u32 $0x7FFFFFFF, v16  }
0x45: {  	v13 =	vld [tilespmem:s22+$0x6000];
	v1 =	vadd.f32 v2, v1  }
0x46: {  	v2 =	vand.u32 $0x7FFFFFFF, v15  }
0x47: {  	v11 =	vld [tilespmem:s22+$0x6080];
	v1 =	vadd.f32 v2, v1  }
0x48: {  	v2 =	vand.u32 $0x7FFFFFFF, v14  }
0x49: {  	v10 =	vld [tilespmem:s22+$0x6100];
	v1 =	vadd.f32 v2, v1  }
0x4a: {  	v2 =	vand.u32 $0x7FFFFFFF, v13  }
0x4b: {  	v8 =	vld [tilespmem:s22+$0x6180];
	v1 =	vadd.f32 v2, v1  }
0x4c: {  	v2 =	vand.u32 $0x7FFFFFFF, v11  }
0x4d: {  	v7 =	vld [tilespmem:s22+$0x6200];
	v1 =	vadd.f32 v2, v1  }
0x4e: {  	v2 =	vand.u32 $0x7FFFFFFF, v10  }
0x4f: {  	v6 =	vld [tilespmem:s22+$0x6280];
	v1 =	vadd.f32 v2, v1  }
0x50: {  	v2 =	vand.u32 $0x7FFFFFFF, v8  }
0x51: {  	v4 =	vld [tilespmem:s22+$0x6300];
	v1 =	vadd.f32 v2, v1  }
0x52: {  	v2 =	vand.u32 $0x7FFFFFFF, v7  }
0x53: {  	v5 =	vld [tilespmem:s22+$0x6380];
	v1 =	vadd.f32 v2, v1  }
0x54: {  	v2 =	vand.u32 $0x7FFFFFFF, v6  }
0x55: {  	v3 =	vld [tilespmem:s22+$0x8000];
	v1 =	vadd.f32 v2, v1  }
0x56: {  	v9 =	vand.u32 $0x7FFFFFFF, v4  }
0x57: {  	v2 =	vld [tilespmem:s22+$0x8080];
	v1 =	vadd.f32 v9, v1  }
0x58: {  	v41 =	vand.u32 $0x7FFFFFFF, v5  }
0x59: {  	v9 =	vadd.f32 v41, v1  }
0x5a: {  	v12 =	vand.u32 $0x7FFFFFFF, v3;
	v1 =	vld [tilespmem:s22+$0x0]  }
0x5b: {  	v9 =	vadd.f32 v12, v9  }
0x5c: {  	v42 =	vand.u32 $0x7FFFFFFF, v2  }
0x5d: {  	v9 =	vadd.f32 v42, v9;
	_ =	sdelay $0x1  }
0x5e: {  	v37 =	vsub.f32 v1, v9;
	v12 =	vadd.f32 v9, v1;
	_ =	sdelay $0x1  }
0x5f: {  	v43 =	vand.u32 $0x7FFFFFFF, v37;
	v38 =	vand.u32 $0x7FFFFFFF, v12  }
0x60: {  	v9 =	vadd.f32 v43, v38;
	_ =	sdelay $0x1  }
0x61: {  	vm0 =	vgt.f32 v9, $0.0e+00  }
0x62: {  	v9 =	vnsel vm0, $0x3F800000, v9  }
0x63: {  	(erf) = vrcp.f32 v9;
	_ =	sdelay $0x5  }
0x64: {  	vm1 =	vgt.f32 v37, $0.0e+00  }
0x65: {  	v44 =	vand.u32 $0x80000000, v37;
	vm2 =	vlt.f32 v37, $0.0e+00;
	v45 =	vand.u32 $0x80000000, v12  }
0x66: {  	vm3 =	vlt.f32 v12, $0.0e+00;
	vm13 =	vgt.f32 v12, $0.0e+00;
	vm1 =	vmor vm1, vm2  }
0x67: {  	vm2 =	vmor vm13, vm3;
	v38 =	vor.u32 v45, v40;
	v9 =	vor.u32 v44, v40;
	v39 =	vpop (erf)  }
0x68: {  	v46 =	vsel vm2, v38, v12;
	v9 =	vsel vm1, v9, v37;
	v47 =	vmul.f32 v39, v12  }
0x69: {  	v37 =	vadd.f32 v46, v9  }
0x6a: {  	v9 =	vnsel vm0, $0x0, v47  }
0x6b: {  	vm14 =	vlt.f32 v37, $0.0e+00;
	v38 =	vmul.f32 v9, v36;
	v48 =	vmul.f32 v9, v35  }
0x6c: {  	vm15 =	veq.f32 v37, $0.0e+00;
	v36 =	vsel vm14, $0x0, v36;
	v35 =	vsel vm14, $0x0, v35  }
0x6d: {  	v49 =	vmul.f32 v9, v34;
	v36 =	vsel vm15, v38, v36;
	v35 =	vsel vm15, v48, v35  }
0x6e: {  	v34 =	vsel vm14, $0x0, v34;
	v38 =	vand.u32 $0x7FFFFFFF, v36;
	v39 =	vand.u32 $0x7FFFFFFF, v35  }
0x6f: {  	v50 =	vmul.f32 v9, v33;
	v34 =	vsel vm15, v49, v34;
	v38 =	vadd.f32 v39, v38  }
0x70: {  	v33 =	vsel vm14, $0x0, v33;
	v51 =	vand.u32 $0x7FFFFFFF, v34  }
0x71: {  	v52 =	vmul.f32 v9, v32;
	v33 =	vsel vm15, v50, v33;
	v38 =	vadd.f32 v38, v51  }
0x72: {  	v32 =	vsel vm14, $0x0, v32;
	v53 =	vand.u32 $0x7FFFFFFF, v33  }
0x73: {  	v54 =	vmul.f32 v9, v31;
	v32 =	vsel vm15, v52, v32;
	v38 =	vadd.f32 v38, v53  }
0x74: {  	v31 =	vsel vm14, $0x0, v31;
	v55 =	vand.u32 $0x7FFFFFFF, v32  }
0x75: {  	v56 =	vmul.f32 v9, v30;
	v31 =	vsel vm15, v54, v31;
	v38 =	vadd.f32 v38, v55  }
0x76: {  	v30 =	vsel vm14, $0x0, v30;
	v57 =	vand.u32 $0x7FFFFFFF, v31  }
0x77: {  	v58 =	vmul.f32 v9, v29;
	v30 =	vsel vm15, v56, v30;
	v38 =	vadd.f32 v38, v57  }
0x78: {  	v29 =	vsel vm14, $0x0, v29;
	v59 =	vand.u32 $0x7FFFFFFF, v30  }
0x79: {  	v60 =	vmul.f32 v9, v28;
	v29 =	vsel vm15, v58, v29;
	v38 =	vadd.f32 v38, v59  }
0x7a: {  	v28 =	vsel vm14, $0x0, v28;
	v61 =	vand.u32 $0x7FFFFFFF, v29  }
0x7b: {  	v62 =	vmul.f32 v9, v27;
	v28 =	vsel vm15, v60, v28;
	v38 =	vadd.f32 v38, v61  }
0x7c: {  	v27 =	vsel vm14, $0x0, v27;
	v63 =	vand.u32 $0x7FFFFFFF, v28  }
0x7d: {  	v42 =	vmul.f32 v9, v26;
	v27 =	vsel vm15, v62, v27;
	v38 =	vadd.f32 v38, v63  }
0x7e: {  	v26 =	vsel vm14, $0x0, v26;
	v43 =	vand.u32 $0x7FFFFFFF, v27  }
0x7f: {  	v44 =	vmul.f32 v9, v25;
	v26 =	vsel vm15, v42, v26;
	v38 =	vadd.f32 v38, v43  }
0x80: {  	v25 =	vsel vm14, $0x0, v25;
	v45 =	vand.u32 $0x7FFFFFFF, v26  }
0x81: {  	v46 =	vmul.f32 v9, v24;
	v25 =	vsel vm15, v44, v25;
	v38 =	vadd.f32 v38, v45  }
0x82: {  	v24 =	vsel vm14, $0x0, v24;
	v47 =	vand.u32 $0x7FFFFFFF, v25  }
0x83: {  	v24 =	vsel vm15, v46, v24;
	v48 =	vmul.f32 v9, v23;
	v38 =	vadd.f32 v38, v47  }
0x84: {  	v23 =	vsel vm14, $0x0, v23;
	v49 =	vand.u32 $0x7FFFFFFF, v24  }
0x85: {  	v50 =	vmul.f32 v9, v22;
	v23 =	vsel vm15, v48, v23;
	v38 =	vadd.f32 v38, v49  }
0x86: {  	v22 =	vsel vm14, $0x0, v22;
	v51 =	vand.u32 $0x7FFFFFFF, v23  }
0x87: {  	v52 =	vmul.f32 v9, v21;
	v22 =	vsel vm15, v50, v22;
	v38 =	vadd.f32 v38, v51  }
0x88: {  	v21 =	vsel vm14, $0x0, v21;
	v53 =	vand.u32 $0x7FFFFFFF, v22  }
0x89: {  	v54 =	vmul.f32 v9, v20;
	v21 =	vsel vm15, v52, v21;
	v38 =	vadd.f32 v38, v53  }
0x8a: {  	v20 =	vsel vm14, $0x0, v20;
	v55 =	vand.u32 $0x7FFFFFFF, v21  }
0x8b: {  	v56 =	vmul.f32 v9, v19;
	v20 =	vsel vm15, v54, v20;
	v38 =	vadd.f32 v38, v55  }
0x8c: {  	v19 =	vsel vm14, $0x0, v19;
	v57 =	vand.u32 $0x7FFFFFFF, v20  }
0x8d: {  	v58 =	vmul.f32 v9, v18;
	v19 =	vsel vm15, v56, v19;
	v38 =	vadd.f32 v38, v57  }
0x8e: {  	v18 =	vsel vm14, $0x0, v18;
	v59 =	vand.u32 $0x7FFFFFFF, v19  }
0x8f: {  	[tilespmem:s22+$0x80] =	vst v36;
	v18 =	vsel vm15, v58, v18;
	v61 =	vmul.f32 v9, v17;
	v60 =	vadd.f32 v38, v59  }
0x90: {  	[tilespmem:s22+$0x180] =	vst v34;
	v62 =	vand.u32 $0x7FFFFFFF, v18;
	v17 =	vsel vm14, $0x0, v17  }
0x91: {  	[tilespmem:s22+$0x280] =	vst v32;
	v36 =	vmul.f32 v9, v16;
	v17 =	vsel vm15, v61, v17;
	v63 =	vadd.f32 v60, v62  }
0x92: {  	v16 =	vsel vm14, $0x0, v16;
	[tilespmem:s22+$0x200] =	vst v33;
	v37 =	vand.u32 $0x7FFFFFFF, v17  }
0x93: {  	[tilespmem:s22+$0x100] =	vst v35;
	v16 =	vsel vm15, v36, v16;
	v38 =	vmul.f32 v9, v15;
	v32 =	vadd.f32 v63, v37  }
0x94: {  	[tilespmem:s22+$0x300] =	vst v31;
	v39 =	vand.u32 $0x7FFFFFFF, v16;
	v15 =	vsel vm14, $0x0, v15  }
0x95: {  	v42 =	vmul.f32 v9, v14;
	[tilespmem:s22+$0x2080] =	vst v28;
	v15 =	vsel vm15, v38, v15;
	v41 =	vadd.f32 v32, v39  }
0x96: {  	v14 =	vsel vm14, $0x0, v14;
	[tilespmem:s22+$0x2000] =	vst v29;
	v43 =	vand.u32 $0x7FFFFFFF, v15  }
0x97: {  	v44 =	vmul.f32 v9, v13;
	[tilespmem:s22+$0x380] =	vst v30;
	v14 =	vsel vm15, v42, v14;
	v28 =	vadd.f32 v41, v43  }
0x98: {  	v13 =	vsel vm14, $0x0, v13;
	[tilespmem:s22+$0x2100] =	vst v27;
	v45 =	vand.u32 $0x7FFFFFFF, v14  }
0x99: {  	v46 =	vmul.f32 v9, v11;
	[tilespmem:s22+$0x2280] =	vst v24;
	v13 =	vsel vm15, v44, v13;
	v27 =	vadd.f32 v28, v45  }
0x9a: {  	v11 =	vsel vm14, $0x0, v11;
	[tilespmem:s22+$0x2200] =	vst v25;
	v48 =	vand.u32 $0x7FFFFFFF, v13  }
0x9b: {  	[tilespmem:s22+$0x2180] =	vst v26;
	v11 =	vsel vm15, v46, v11;
	v47 =	vmul.f32 v9, v10;
	v25 =	vadd.f32 v27, v48  }
0x9c: {  	[tilespmem:s22+$0x4100] =	vst v19;
	v50 =	vand.u32 $0x7FFFFFFF, v11;
	v10 =	vsel vm14, $0x0, v10;
	v49 =	vmul.f32 v9, v8  }
0x9d: {  	[tilespmem:s22+$0x2380] =	vst v22;
	v10 =	vsel vm15, v47, v10;
	v8 =	vsel vm14, $0x0, v8;
	v19 =	vadd.f32 v25, v50  }
0x9e: {  	[tilespmem:s22+$0x6100] =	vst v10;
	v10 =	vand.u32 $0x7FFFFFFF, v10;
	v8 =	vsel vm15, v49, v8  }
0x9f: {  	[tilespmem:s22+$0x2300] =	vst v23;
	v51 =	vsel vm14, $0x0, v7;
	v7 =	vmul.f32 v9, v7;
	v10 =	vadd.f32 v19, v10  }
0xa0: {  	v52 =	vmul.f32 v9, v6;
	v6 =	vsel vm14, $0x0, v6;
	[tilespmem:s22+$0x4080] =	vst v20;
	v54 =	vand.u32 $0x7FFFFFFF, v8  }
0xa1: {  	v56 =	vmul.f32 v9, v5;
	[tilespmem:s22+$0x4000] =	vst v21;
	v7 =	vsel vm15, v7, v51;
	v10 =	vadd.f32 v10, v54  }
0xa2: {  	v5 =	vsel vm14, $0x0, v5;
	v53 =	vsub.f32 $1.000000000e+00, v9;
	[tilespmem:s22+$0x6200] =	vst v7;
	v7 =	vand.u32 $0x7FFFFFFF, v7  }
0xa3: {  	[tilespmem:s22+$0x6080] =	vst v11;
	v6 =	vsel vm15, v52, v6;
	v55 =	vmul.f32 v9, v4;
	v7 =	vadd.f32 v10, v7  }
0xa4: {  	[tilespmem:s22+$0x6280] =	vst v6;
	v6 =	vand.u32 $0x7FFFFFFF, v6;
	v12 =	vmul.f32 v53, v12;
	v4 =	vsel vm14, $0x0, v4  }
0xa5: {  	[tilespmem:s22+$0x4380] =	vst v14;
	v5 =	vsel vm15, v56, v5;
	v4 =	vsel vm15, v55, v4;
	v6 =	vadd.f32 v7, v6  }
0xa6: {  	v57 =	vand.u32 $0x7FFFFFFF, v9;
	v58 =	vmul.f32 $5.000000000e-01, v12;
	[tilespmem:s22+$0x6300] =	vst v4;
	v4 =	vand.u32 $0x7FFFFFFF, v4  }
0xa7: {  	[tilespmem:s22+$0x4180] =	vst v18;
	v59 =	vmul.f32 v9, v3;
	v7 =	vmul.f32 v57, v2;
	v4 =	vadd.f32 v6, v4  }
0xa8: {  	[tilespmem:s22+$0x6380] =	vst v5;
	v5 =	vand.u32 $0x7FFFFFFF, v5;
	v3 =	vsel vm14, $0x0, v3;
	v60 =	vand.u32 $0x7FFFFFFF, v58  }
0xa9: {  	[tilespmem:s22+$0x6000] =	vst v13;
	v3 =	vsel vm15, v59, v3;
	v7 =	vadd.f32 v60, v7;
	v4 =	vadd.f32 v4, v5  }
0xaa: {  	v61 =	vmul.f32 v9, v1;
	[tilespmem:s22+$0x8000] =	vst v3;
	v3 =	vand.u32 $0x7FFFFFFF, v3;
	v2 =	vsel vm14, $0x0, v2  }
0xab: {  	[tilespmem:s22+$0x4280] =	vst v16;
	v2 =	vsel vm15, v7, v2;
	v3 =	vadd.f32 v4, v3  }
0xac: {  	[tilespmem:s22+$0x4200] =	vst v17;
	v62 =	vadd.f32 v58, v61;
	v63 =	vand.u32 $0x7FFFFFFF, v2  }
0xad: {  	v1 =	vsel vm14, $0x0, v1;
	[tilespmem:s22+$0x6180] =	vst v8;
	v3 =	vadd.f32 v3, v63  }
0xae: {  	[tilespmem:s22+$0x4300] =	vst v15;
	v1 =	vsel vm15, v62, v1  }
0xaf: {  	[tilespmem:s22+$0x8080] =	vst v2;
	v2 =	vsub.f32 v1, v3  }
0xb0: {  	[tilespmem:s22+$0x0] =	vst v1;
	s22 =	simm.s32 $0xA400;
	v1 =	vadd.f32 v3, v1  }
0xb1: {  	s24 =	simm.s32 $0xA800;
	[tilespmem:s22+$0x0] =	vst v2  }
0xb2: {  	s25 =	simm.s32 $0x10;
	[tilespmem:s24+$0x0] =	vst v1  }
0xb3: {  	s28 =	simm.s32 $0xAC10;
	s23 =	simm.s32 $0xAC00;
	v1 =	vld [tilespmem:s26+$0x0];
	s26 =	simm.s32 $0xA010  }
.LBB2_3:
0xb4: {  	_ =	sdelay $0x2  }
0xb5: {  	s21 =	sadd.s32 $0x80, s21;
	s29 =	smov.u32 s25  }
0xb6: {  	s29 =	sand.u32 $0x70, s29;
	s30 =	sand.u32 $0x1C00, s21;
	v1 =	vmax.f32 v1, $0.0e+00  }
0xb7: {  	s29 =	sor.u32 s29, s30;
	[tilespmem:s23+$0x0] =	vst v1  }
0xb8: {  	v3 =	vld [tilespmem:s29+$0x100]  }
0xb9: {  	v10 =	vld [tilespmem:s29+$0x80];
	_ =	sdelay $0x1  }
0xba: {  	v6 =	vld [tilespmem:s29+$0x180];
	_ =	sdelay $0x1  }
0xbb: {  	v11 =	vld [tilespmem:s29+$0x200]  }
0xbc: {  	v1 =	vand.u32 $0x7FFFFFFF, v3;
	v2 =	vand.u32 $0x7FFFFFFF, v10  }
0xbd: {  	v12 =	vld [tilespmem:s29+$0x280];
	v1 =	vadd.f32 v1, v2  }
0xbe: {  	v2 =	vand.u32 $0x7FFFFFFF, v6  }
0xbf: {  	v7 =	vld [tilespmem:s29+$0x300];
	v1 =	vadd.f32 v2, v1  }
0xc0: {  	v2 =	vand.u32 $0x7FFFFFFF, v11  }
0xc1: {  	v16 =	vld [tilespmem:s29+$0x380];
	v1 =	vadd.f32 v2, v1  }
0xc2: {  	v2 =	vand.u32 $0x7FFFFFFF, v12  }
0xc3: {  	v13 =	vld [tilespmem:s29+$0x2000];
	v1 =	vadd.f32 v2, v1  }
0xc4: {  	v2 =	vand.u32 $0x7FFFFFFF, v7  }
0xc5: {  	v17 =	vld [tilespmem:s29+$0x2080];
	v1 =	vadd.f32 v2, v1  }
0xc6: {  	v2 =	vand.u32 $0x7FFFFFFF, v16  }
0xc7: {  	v9 =	vld [tilespmem:s29+$0x2100];
	v1 =	vadd.f32 v2, v1  }
0xc8: {  	v2 =	vand.u32 $0x7FFFFFFF, v13  }
0xc9: {  	v5 =	vld [tilespmem:s29+$0x2180];
	v1 =	vadd.f32 v2, v1  }
0xca: {  	v2 =	vand.u32 $0x7FFFFFFF, v17  }
0xcb: {  	v18 =	vld [tilespmem:s29+$0x2200];
	v1 =	vadd.f32 v2, v1  }
0xcc: {  	v2 =	vand.u32 $0x7FFFFFFF, v9  }
0xcd: {  	v22 =	vld [tilespmem:s29+$0x2280];
	v1 =	vadd.f32 v2, v1  }
0xce: {  	v2 =	vand.u32 $0x7FFFFFFF, v5  }
0xcf: {  	v15 =	vld [tilespmem:s29+$0x2300];
	v1 =	vadd.f32 v2, v1  }
0xd0: {  	v2 =	vand.u32 $0x7FFFFFFF, v18  }
0xd1: {  	v8 =	vld [tilespmem:s29+$0x2380];
	v1 =	vadd.f32 v2, v1  }
0xd2: {  	v2 =	vand.u32 $0x7FFFFFFF, v22  }
0xd3: {  	v21 =	vld [tilespmem:s29+$0x4000];
	v1 =	vadd.f32 v2, v1  }
0xd4: {  	v2 =	vand.u32 $0x7FFFFFFF, v15  }
0xd5: {  	v25 =	vld [tilespmem:s29+$0x4080];
	v1 =	vadd.f32 v2, v1  }
0xd6: {  	v2 =	vand.u32 $0x7FFFFFFF, v8  }
0xd7: {  	v19 =	vld [tilespmem:s29+$0x4100];
	v2 =	vadd.f32 v2, v1  }
0xd8: {  	v4 =	vand.u32 $0x7FFFFFFF, v21  }
0xd9: {  	v45 =	vld [tilespmem:s29+$0x4180];
	v2 =	vadd.f32 v4, v2  }
0xda: {  	v23 =	vand.u32 $0x7FFFFFFF, v25  }
0xdb: {  	v26 =	vld [tilespmem:s29+$0x4200];
	v2 =	vadd.f32 v23, v2  }
0xdc: {  	v24 =	vand.u32 $0x7FFFFFFF, v19  }
0xdd: {  	v28 =	vld [tilespmem:s29+$0x4280];
	v2 =	vadd.f32 v24, v2  }
0xde: {  	v32 =	vand.u32 $0x7FFFFFFF, v45  }
0xdf: {  	v23 =	vld [tilespmem:s29+$0x4300];
	v4 =	vadd.f32 v32, v2  }
0xe0: {  	v14 =	vand.u32 $0x7FFFFFFF, v26  }
0xe1: {  	v44 =	vld [tilespmem:s29+$0x4380];
	v4 =	vadd.f32 v14, v4  }
0xe2: {  	v33 =	vand.u32 $0x7FFFFFFF, v28  }
0xe3: {  	v29 =	vld [tilespmem:s29+$0x6000];
	v4 =	vadd.f32 v33, v4  }
0xe4: {  	v34 =	vand.u32 $0x7FFFFFFF, v23  }
0xe5: {  	v30 =	vld [tilespmem:s29+$0x6080];
	v4 =	vadd.f32 v34, v4  }
0xe6: {  	v35 =	vand.u32 $0x7FFFFFFF, v44  }
0xe7: {  	v27 =	vld [tilespmem:s29+$0x6100];
	v4 =	vadd.f32 v35, v4  }
0xe8: {  	v36 =	vand.u32 $0x7FFFFFFF, v29  }
0xe9: {  	v34 =	vld [tilespmem:s29+$0x6180];
	v4 =	vadd.f32 v36, v4  }
0xea: {  	v37 =	vand.u32 $0x7FFFFFFF, v30  }
0xeb: {  	v31 =	vld [tilespmem:s29+$0x6200];
	v4 =	vadd.f32 v37, v4  }
0xec: {  	v38 =	vand.u32 $0x7FFFFFFF, v27  }
0xed: {  	v32 =	vld [tilespmem:s29+$0x6280];
	v4 =	vadd.f32 v38, v4  }
0xee: {  	v39 =	vand.u32 $0x7FFFFFFF, v34  }
0xef: {  	v33 =	vld [tilespmem:s29+$0x6300];
	v4 =	vadd.f32 v39, v4  }
0xf0: {  	v41 =	vand.u32 $0x7FFFFFFF, v31  }
0xf1: {  	v24 =	vld [tilespmem:s29+$0x6380];
	v14 =	vadd.f32 v41, v4  }
0xf2: {  	v20 =	vand.u32 $0x7FFFFFFF, v32  }
0xf3: {  	v4 =	vld [tilespmem:s29+$0x8000];
	v20 =	vadd.f32 v20, v14  }
0xf4: {  	v35 =	vand.u32 $0x7FFFFFFF, v33  }
0xf5: {  	v14 =	vld [tilespmem:s29+$0x8080];
	v20 =	vadd.f32 v35, v20  }
0xf6: {  	v42 =	vand.u32 $0x7FFFFFFF, v24  }
0xf7: {  	v35 =	vadd.f32 v42, v20  }
0xf8: {  	v36 =	vand.u32 $0x7FFFFFFF, v4;
	v20 =	vld [tilespmem:s29+$0x0]  }
0xf9: {  	v35 =	vadd.f32 v36, v35  }
0xfa: {  	v43 =	vand.u32 $0x7FFFFFFF, v14  }
0xfb: {  	v35 =	vadd.f32 v43, v35;
	_ =	sdelay $0x1  }
0xfc: {  	v36 =	vsub.f32 v20, v35;
	v35 =	vadd.f32 v35, v20;
	_ =	sdelay $0x1  }
0xfd: {  	v37 =	vand.u32 $0x7FFFFFFF, v36;
	v38 =	vand.u32 $0x7FFFFFFF, v35  }
0xfe: {  	v37 =	vadd.f32 v37, v38;
	_ =	sdelay $0x1  }
0xff: {  	vm13 =	vgt.f32 v37, $0.0e+00  }
0x100: {  	v37 =	vnsel vm13, $0x3F800000, v37  }
0x101: {  	(erf) = vrcp.f32 v37;
	_ =	sdelay $0x2  }
0x102: {  	vm0 =	vgt.f32 v36, $0.0e+00  }
0x103: {  	v39 =	vand.u32 $0x80000000, v36;
	vm1 =	vlt.f32 v36, $0.0e+00;
	v46 =	vand.u32 $0x80000000, v35  }
0x104: {  	vm2 =	vlt.f32 v35, $0.0e+00;
	vm3 =	vgt.f32 v35, $0.0e+00;
	vm0 =	vmor vm0, vm1  }
0x105: {  	vm12 =	vmor vm3, vm2;
	v39 =	vor.u32 v39, v40;
	v38 =	vor.u32 v46, v40  }
0x106: {  	v36 =	vsel vm0, v39, v36;
	v38 =	vsel vm12, v38, v35  }
0x107: {  	v36 =	vadd.f32 v38, v36  }
0x108: {  	v37 =	vpop (erf)  }
0x109: {  	vm15 =	vlt.f32 v36, $0.0e+00;
	v37 =	vmul.f32 v37, v35  }
0x10a: {  	vm14 =	veq.f32 v36, $0.0e+00;
	v39 =	vsel vm15, $0x0, v10;
	v43 =	vsel vm15, $0x0, v3  }
0x10b: {  	v0 =	vsel vm15, $0x0, v33;
	v41 =	vsel vm15, $0x0, v11;
	v37 =	vnsel vm13, $0x0, v37  }
0x10c: {  	v47 =	vsel vm15, $0x0, v12;
	[tilespmem:$0x1FFD0] =	vst v0;
	v0 =	vsel vm15, $0x0, v44;
	v10 =	vmul.f32 v37, v10  }
0x10d: {  	[tilespmem:$0x1FFE0] =	vst v0;
	v0 =	vsel vm15, $0x0, v7;
	v11 =	vmul.f32 v37, v11;
	v3 =	vmul.f32 v37, v3  }
0x10e: {  	v42 =	vmul.f32 v37, v6;
	v40 =	vsel vm14, v10, v39;
	v10 =	vmul.f32 v37, v12  }
0x10f: {  	v6 =	vsel vm15, $0x0, v6;
	v39 =	vsel vm14, v11, v41;
	v11 =	vsel vm14, v3, v43  }
0x110: {  	v12 =	vand.u32 $0x7FFFFFFF, v40;
	v41 =	vsel vm14, v10, v47;
	v47 =	vand.u32 $0x7FFFFFFF, v11  }
0x111: {  	v7 =	vmul.f32 v37, v7;
	v42 =	vsel vm14, v42, v6;
	v12 =	vadd.f32 v47, v12  }
0x112: {  	v1 =	vsel vm15, $0x0, v17;
	v3 =	vand.u32 $0x7FFFFFFF, v42  }
0x113: {  	v43 =	vmul.f32 v37, v17;
	v17 =	vsel vm14, v7, v0;
	v0 =	vadd.f32 v12, v3  }
0x114: {  	v47 =	vand.u32 $0x7FFFFFFF, v39  }
0x115: {  	v50 =	vsel vm15, $0x0, v13;
	v0 =	vadd.f32 v0, v47  }
0x116: {  	v13 =	vmul.f32 v37, v13;
	v43 =	vsel vm14, v43, v1;
	v1 =	vand.u32 $0x7FFFFFFF, v41  }
0x117: {  	v6 =	vmul.f32 v37, v16;
	v0 =	vadd.f32 v0, v1  }
0x118: {  	v49 =	vsel vm15, $0x0, v16;
	v13 =	vsel vm14, v13, v50;
	v50 =	vand.u32 $0x7FFFFFFF, v17  }
0x119: {  	v10 =	vsel vm14, v6, v49;
	v0 =	vadd.f32 v0, v50  }
0x11a: {  	v1 =	vand.u32 $0x7FFFFFFF, v10  }
0x11b: {  	v48 =	vsel vm15, $0x0, v30;
	v0 =	vadd.f32 v0, v1  }
0x11c: {  	v38 =	vsel vm15, $0x0, v31;
	v51 =	vsel vm15, $0x0, v9;
	v50 =	vand.u32 $0x7FFFFFFF, v13  }
0x11d: {  	v52 =	vsel vm15, $0x0, v5;
	v3 =	vmul.f32 v37, v9;
	v0 =	vadd.f32 v0, v50  }
0x11e: {  	v53 =	vsel vm15, $0x0, v22;
	v22 =	vmul.f32 v37, v22;
	v1 =	vand.u32 $0x7FFFFFFF, v43  }
0x11f: {  	v16 =	vsel vm14, v3, v51;
	v3 =	vmul.f32 v37, v5;
	v0 =	vadd.f32 v0, v1  }
0x120: {  	v22 =	vsel vm14, v22, v53;
	v9 =	vmul.f32 v37, v18;
	v53 =	vand.u32 $0x7FFFFFFF, v16  }
0x121: {  	v62 =	vsel vm15, $0x0, v18;
	v18 =	vsel vm14, v3, v52;
	v0 =	vadd.f32 v0, v53  }
0x122: {  	v9 =	vsel vm14, v9, v62;
	v62 =	vmul.f32 v37, v15;
	v1 =	vand.u32 $0x7FFFFFFF, v18  }
0x123: {  	v36 =	vsel vm15, $0x0, v27;
	v59 =	vsel vm15, $0x0, v15;
	v0 =	vadd.f32 v0, v1  }
0x124: {  	v54 =	vsel vm15, $0x0, v8;
	v6 =	vsel vm14, v62, v59;
	v59 =	vand.u32 $0x7FFFFFFF, v9  }
0x125: {  	v55 =	vsel vm15, $0x0, v21;
	v56 =	vsel vm15, $0x0, v25;
	v0 =	vadd.f32 v0, v59  }
0x126: {  	v47 =	vmul.f32 v37, v25;
	v3 =	vmul.f32 v37, v21;
	v1 =	vand.u32 $0x7FFFFFFF, v22  }
0x127: {  	v58 =	vsel vm15, $0x0, v19;
	v8 =	vmul.f32 v37, v8;
	v0 =	vadd.f32 v0, v1  }
0x128: {  	v7 =	vsel vm14, v47, v56;
	v47 =	vand.u32 $0x7FFFFFFF, v6;
	v5 =	vsel vm14, v3, v55  }
0x129: {  	v3 =	vmul.f32 v37, v19;
	v19 =	vsel vm14, v8, v54;
	v0 =	vadd.f32 v0, v47  }
0x12a: {  	v57 =	vsel vm15, $0x0, v26;
	v51 =	vmul.f32 v37, v26;
	v1 =	vand.u32 $0x7FFFFFFF, v19  }
0x12b: {  	v46 =	vsel vm15, $0x0, v45;
	v60 =	vsel vm15, $0x0, v28;
	v0 =	vadd.f32 v0, v1  }
0x12c: {  	v21 =	vsel vm14, v3, v58;
	v3 =	vsel vm14, v51, v57;
	v51 =	vand.u32 $0x7FFFFFFF, v5  }
0x12d: {  	v61 =	vsel vm15, $0x0, v23;
	v57 =	vmul.f32 v37, v30;
	v0 =	vadd.f32 v0, v51  }
0x12e: {  	v52 =	vmul.f32 v37, v28;
	v55 =	vmul.f32 v37, v23;
	v1 =	vand.u32 $0x7FFFFFFF, v7  }
0x12f: {  	v23 =	vsel vm14, v57, v48;
	v48 =	vmul.f32 v37, v45;
	v0 =	vadd.f32 v0, v1  }
0x130: {  	v27 =	vmul.f32 v37, v27;
	v15 =	vsel vm14, v52, v60;
	v57 =	vand.u32 $0x7FFFFFFF, v21  }
0x131: {  	[tilespmem:s29+$0x80] =	vst v40;
	v60 =	vmul.f32 v37, v33;
	v33 =	vsel vm14, v48, v46;
	v0 =	vadd.f32 v0, v57  }
0x132: {  	[tilespmem:s29+$0x180] =	vst v42;
	v58 =	vsel vm15, $0x0, v24;
	v24 =	vmul.f32 v37, v24;
	v1 =	vand.u32 $0x7FFFFFFF, v33  }
0x133: {  	v2 =	vsel vm15, $0x0, v34;
	v27 =	vsel vm14, v27, v36;
	[tilespmem:s29+$0x200] =	vst v39;
	v0 =	vadd.f32 v0, v1  }
0x134: {  	[tilespmem:s29+$0x100] =	vst v11;
	v8 =	vsel vm14, v55, v61;
	v55 =	vld [tilespmem:$0x1FFE0];
	v24 =	vsel vm14, v24, v58;
	v58 =	vand.u32 $0x7FFFFFFF, v3  }
0x135: {  	[tilespmem:s29+$0x300] =	vst v17;
	v49 =	vsel vm15, $0x0, v32;
	v62 =	vmul.f32 v37, v32;
	v0 =	vadd.f32 v0, v58  }
0x136: {  	[tilespmem:s29+$0x2000] =	vst v13;
	v52 =	vmul.f32 v37, v44;
	v61 =	vmul.f32 v37, v31;
	v1 =	vand.u32 $0x7FFFFFFF, v15  }
0x137: {  	[tilespmem:s29+$0x2280] =	vst v22;
	v31 =	vsel vm14, v62, v49;
	v49 =	vsub.f32 $1.000000000e+00, v37;
	v53 =	vld [tilespmem:$0x1FFD0];
	v0 =	vadd.f32 v0, v1  }
0x138: {  	[tilespmem:s29+$0x6100] =	vst v27;
	v56 =	vmul.f32 v37, v29;
	v54 =	vmul.f32 v37, v34;
	v59 =	vand.u32 $0x7FFFFFFF, v8  }
0x139: {  	[tilespmem:s29+$0x280] =	vst v41;
	v34 =	vmul.f32 v49, v35;
	v35 =	vsel vm14, v52, v55;
	v0 =	vadd.f32 v0, v59  }
0x13a: {  	v63 =	vsel vm15, $0x0, v29;
	[tilespmem:s29+$0x2080] =	vst v43;
	v1 =	vand.u32 $0x7FFFFFFF, v35  }
0x13b: {  	[tilespmem:s29+$0x380] =	vst v10;
	v12 =	vsel vm14, v56, v63;
	v0 =	vadd.f32 v0, v1  }
0x13c: {  	[tilespmem:s29+$0x2100] =	vst v16;
	v26 =	vsel vm14, v60, v53;
	v60 =	vand.u32 $0x7FFFFFFF, v12  }
0x13d: {  	[tilespmem:s29+$0x2200] =	vst v9;
	v0 =	vadd.f32 v0, v60  }
0x13e: {  	[tilespmem:s29+$0x2180] =	vst v18;
	v1 =	vand.u32 $0x7FFFFFFF, v23  }
0x13f: {  	[tilespmem:s29+$0x2300] =	vst v6;
	v0 =	vadd.f32 v0, v1  }
0x140: {  	[tilespmem:s29+$0x4080] =	vst v7;
	v30 =	vsel vm14, v61, v38;
	v61 =	vand.u32 $0x7FFFFFFF, v27  }
0x141: {  	[tilespmem:s29+$0x2380] =	vst v19;
	v2 =	vsel vm14, v54, v2;
	v0 =	vadd.f32 v0, v61  }
0x142: {  	v63 =	vsel vm15, $0x0, v4;
	v4 =	vmul.f32 v37, v4;
	[tilespmem:s29+$0x4000] =	vst v5;
	v1 =	vand.u32 $0x7FFFFFFF, v2  }
0x143: {  	[tilespmem:s29+$0x4280] =	vst v15;
	v0 =	vadd.f32 v0, v1  }
0x144: {  	[tilespmem:s29+$0x6000] =	vst v12;
	v4 =	vsel vm14, v4, v63;
	v62 =	vand.u32 $0x7FFFFFFF, v30  }
0x145: {  	[tilespmem:s29+$0x8000] =	vst v4;
	v0 =	vadd.f32 v0, v62  }
0x146: {  	[tilespmem:s29+$0x6280] =	vst v31;
	v1 =	vand.u32 $0x7FFFFFFF, v31  }
0x147: {  	[tilespmem:s29+$0x4100] =	vst v21;
	v0 =	vadd.f32 v0, v1  }
0x148: {  	[tilespmem:s29+$0x6180] =	vst v2;
	v50 =	vand.u32 $0x7FFFFFFF, v37;
	v34 =	vmul.f32 $5.000000000e-01, v34;
	v63 =	vand.u32 $0x7FFFFFFF, v26  }
0x149: {  	[tilespmem:s29+$0x4200] =	vst v3;
	v25 =	vmul.f32 v50, v14;
	v0 =	vadd.f32 v0, v63  }
0x14a: {  	[tilespmem:s29+$0x4300] =	vst v8;
	v56 =	vand.u32 $0x7FFFFFFF, v34;
	v1 =	vand.u32 $0x7FFFFFFF, v24  }
0x14b: {  	[tilespmem:s29+$0x6380] =	vst v24;
	v25 =	vadd.f32 v56, v25;
	v0 =	vadd.f32 v0, v1  }
0x14c: {  	v54 =	vmul.f32 v37, v20;
	v14 =	vsel vm15, $0x0, v14;
	[tilespmem:s29+$0x6200] =	vst v30;
	v1 =	vand.u32 $0x7FFFFFFF, v4  }
0x14d: {  	[tilespmem:s29+$0x6080] =	vst v23;
	v14 =	vsel vm14, v25, v14;
	v0 =	vadd.f32 v0, v1  }
0x14e: {  	[tilespmem:s29+$0x4180] =	vst v33;
	v34 =	vadd.f32 v34, v54;
	v1 =	vand.u32 $0x7FFFFFFF, v14  }
0x14f: {  	v20 =	vsel vm15, $0x0, v20;
	[tilespmem:s29+$0x4380] =	vst v35;
	v0 =	vadd.f32 v0, v1  }
0x150: {  	p0 =	sne.s32 s25, $0x3F0;
	[tilespmem:s29+$0x8080] =	vst v14;
	v2 =	vsel vm14, v34, v20  }
.Ltmp0:
0x151: {  	[tilespmem:s29+$0x6300] =	vst v26;
	v1 =	vsub.f32 v2, v0;
	(pc) =	sbr.rel @p0 .LBB2_3-.Ltmp0, $4  }
0x152: {  	s22 =	sadd.s32 $0x10, s22;
	[tilespmem:s29+$0x0] =	vst v2;
	v0 =	vadd.f32 v0, v2  }
0x153: {  	s24 =	sadd.s32 $0x10, s24;
	[tilespmem:s22+$0x0] =	vst v1  }
0x154: {  	s25 =	sadd.s32 $0x10, s25;
	v40 =	vld [tilespmem:$0x1FFF0];
	[tilespmem:s24+$0x0] =	vst v0  }
0x155: {  	s23 =	smov.u32 s28;
	s28 =	sadd.s32 $0x10, s28;
	v1 =	vld [tilespmem:s26+$0x0];
	s26 =	sadd.s32 $0x10, s26  }
0x156: {  	_ =	sdelay $0x3  }
0x157: {  	v0 =	vmax.f32 v1, $0.0e+00  }
0x158: {  	s20 =	sadd.s32 s3, s20;
	[tilespmem:s23+$0x0] =	vst v0  }
0x159: {  	[hbm4b:s20+s11] =	stream.strided.scatter [tilespmem:s7], [sflag:$0x1], $0xA000, s12, s11, $0x38;
	[tilespmem:$0xB000] =	vst v63  }
0x15a: {  	_ =	swait.ge [sflag:s13], $0xA000  }
0x15b: {  	[sflag:s13] =	ssyncset.done $0x0  }
0x15c: {  	s29 =	sadd.s32 s4, s19;
	[sflag:s13] =	ssyncadd.s32 $0xFFFF6000  }
0x15d: {  	[hbm4b:s29+s7] =	stream.linear.scatter [tilespmem:s14], [sflag:$0x1], $0x400, $0x38;
	[tilespmem:$0xB000] =	vst v63  }
0x15e: {  	_ =	swait.ge [sflag:s13], $0x400  }
0x15f: {  	[sflag:s13] =	ssyncset.done $0x0  }
0x160: {  	s30 =	sadd.s32 s5, s19;
	[sflag:s13] =	ssyncadd.s32 $0xFFFFFC00  }
0x161: {  	[hbm4b:s30+s7] =	stream.linear.scatter [tilespmem:s15], [sflag:$0x1], $0x400, $0x38;
	[tilespmem:$0xB000] =	vst v63  }
0x162: {  	s18 =	sadd.s32 $0x1, s18;
	_ =	swait.ge [sflag:s13], $0x400  }
0x163: {  	p0 =	sne.s32 s18, $0x40;
	[sflag:s13] =	ssyncset.done $0x0  }
.Ltmp1:
0x164: {  	s31 =	sadd.s32 s6, s19;
	[sflag:s13] =	ssyncadd.s32 $0xFFFFFC00;
	(pc) =	sbr.rel @p0 .LBB2_2-.Ltmp1, $4  }
0x165: {  	[hbm4b:s31+s7] =	stream.linear.scatter [tilespmem:s16], [sflag:$0x1], $0x400, $0x38;
	[tilespmem:$0xB000] =	vst v63  }
0x166: {  	_ =	swait.ge [sflag:s13], $0x400  }
0x167: {  	[sflag:s13] =	ssyncset.done $0x0  }
0x168: {  	[sflag:s13] =	ssyncadd.s32 $0xFFFFFC00  }
0x169: {  	s17 =	sadd.s32 $0x1, s17  }
0x16a: {  	p0 =	sne.s32 s17, s10  }
.Ltmp2:
0x16b: {  	_ = 	snop;
	(pc) =	sbr.rel @p0 .LBB2_1-.Ltmp2, $1  }
0x16c: {  	_ =	sdelay $0x3  }
0x16d: {  	_ =	sfence.sel $0x180000  }
0x16e: {  	[bflag:$0x0] =	sbarrier.arrive $0xFFFF  }
0x16f: {  	p0 =	sne.s32 s8, $0x0;
	_ =	strace $0x90000047  }
0x170: {  	s0 =	sadd.s32 @!p0 $0x100000, s1;
	[bflag:$0x2] =	sbarrier.arrive $0xFFFF  }
0x171: {  	[sflag:s0] =	ssyncadd.tile.s32 @!p0 $0x1;
	_ =	shalt  }
.Lfunc_end2:
_tile_overlayer_lowered:
.L_overlay_start_2:
0x172: {  	(tag) =	ssettag $0x2  }
0x173: {  	s0 =	rddreg [dreg:$0x0];
	s2 =	stileid.u32  }
0x174: {  	s1 =	rddreg [dreg:$0x1];
	p0 =	sne.s32 s2, $0x0  }
0x175: {  	s3 =	rddreg [dreg:$0x2];
	[bflag:$0x3] =	sbarrier.arrive $0xFFFF;
	s2 =	simm.s32 @!p0 $0x1C01  }
0x176: {  	[timem:s3], [sflag:s2] =	dma.local @!p0 [hbm:s0], s1  }
0x177: {  	s0 =	simm.s32 @!p0 $0x1  }
0x178: {  	_ =	swait.ge @!p0 [sflag:s0], s1  }
0x179: {  	s1 =	ssub.s32 @!p0 $0x0, s1;
	[sflag:s0] =	ssyncset.done @!p0 $0x0  }
0x17a: {  	[sflag:s0] =	ssyncadd.s32 @!p0 s1  }
0x17b: {  	[bflag:$0x3] =	sbarrier.arrive $0xFFFF  }
0x17c: {  	_ =	shalt  }

</sc_bundles>
